<compile_context>
chip_gen: v7x
topology: tpu7x:2x2x1
jax: 0.10.2.dev20260603
libtpu: 0.0.44.dev20260713+nightly
codegen_flags: <defaults>
</compile_context>

<pallas_src>
import functools

import jax
import jax.numpy as jnp
from jax import lax
from jax.experimental import pallas as pl
from jax.experimental.pallas import tpu as pltpu
from jax.experimental.pallas import tpu_sc as plsc

GRID_CELLS = 900
NUM_COLORS = 11
EMBED = 128

_NC, _NS = 2, 16
NW = _NC * _NS
TABLE_PAD = GRID_CELLS * NUM_COLORS


def _table_body(ct_ref, pe_ref, w1_ref, w2_ref, b_ref, out_ref):
    cp = lax.dot_general(ct_ref[...], w1_ref[...], (((1,), (1,)), ((), ())),
                         preferred_element_type=jnp.float32)
    pp = lax.dot_general(pe_ref[...], w2_ref[...], (((1,), (1,)), ((), ())),
                         preferred_element_type=jnp.float32)
    out_ref[...] = pp[:, None, :] + cp[None, :, :] + b_ref[...][None, None, :]


def _build_table(color_table, pos_embedding, w1, w2, b):
    return pl.pallas_call(
        _table_body,
        out_shape=jax.ShapeDtypeStruct((GRID_CELLS, NUM_COLORS, EMBED),
                                       jnp.float32),
    )(color_table, pos_embedding, w1, w2, b)


def _make_gather(total_rows: int, chunk: int, max_idx: int = 128):
    rows_per_w = total_rows // NW
    n_chunks = rows_per_w // chunk
    assert rows_per_w * NW == total_rows and n_chunks * chunk == rows_per_w
    assert chunk % 16 == 0
    n_pairs = n_chunks // 2
    tail = n_chunks % 2
    slices = []
    off = 0
    while off < chunk:
        sl = min(max_idx, chunk - off)
        slices.append((off, sl))
        off += sl

    mesh = plsc.VectorSubcoreMesh(core_axis_name="c", subcore_axis_name="s")

    @functools.partial(
        pl.kernel,
        mesh=mesh,
        out_type=jax.ShapeDtypeStruct((total_rows, EMBED), jnp.float32),
        scratch_types=[
            pltpu.VMEM((chunk,), jnp.int32),
            pltpu.VMEM((chunk,), jnp.int32),
            pltpu.VMEM((chunk,), jnp.int32),
            pltpu.VMEM((chunk,), jnp.int32),
            pltpu.VMEM((chunk, EMBED), jnp.float32),
            pltpu.VMEM((chunk, EMBED), jnp.float32),
            pltpu.SemaphoreType.DMA,
            pltpu.SemaphoreType.DMA,
            pltpu.SemaphoreType.DMA,
            pltpu.SemaphoreType.DMA,
            pltpu.VMEM_SHARED((TABLE_PAD, EMBED),
                              jnp.float32),
        ],
    )
    def gather(grids_hbm, table_hbm, out_hbm,
               grid_a, grid_b, idx_a, idx_b, rows_a, rows_b,
               sga, sgb, swa, swb, table_sp):
        sid = lax.axis_index("s")
        wid = sid * _NC + lax.axis_index("c")
        lane = lax.iota(jnp.int32, 16)

        @pl.when(sid == 0)
        def _():
            pltpu.sync_copy(table_hbm, table_sp)

        plsc.subcore_barrier()

        def stage_idx(abs_base, grid_v, idx_v):
            pltpu.sync_copy(grids_hbm.at[pl.ds(abs_base, chunk)], grid_v)
            for i in range(chunk // 16):
                pos = abs_base + (i * 16) + lane
                j = lax.rem(pos, GRID_CELLS)
                idx_v[pl.ds(i * 16, 16)] = (
                    j * NUM_COLORS + grid_v[pl.ds(i * 16, 16)])

        def fire_gathers(idx_v, rows_v, sem):
            return [
                pltpu.async_copy(
                    table_sp.at[idx_v.at[pl.ds(o, sl)]],
                    rows_v.at[pl.ds(o, sl)], sem)
                for (o, sl) in slices
            ]

        def drain_write(rows_v, sem):
            pltpu.make_async_copy(
                rows_v, out_hbm.at[pl.ds(0, chunk)], sem).wait()

        def chunk_base(ci):
            return (ci * NW + wid) * chunk

        def one_pair(t, carry):
            b0 = chunk_base(2 * t)
            b1 = chunk_base(2 * t + 1)
            stage_idx(b0, grid_a, idx_a)

            @pl.when(t > 0)
            def _():
                drain_write(rows_a, swa)

            ha = fire_gathers(idx_a, rows_a, sga)
            stage_idx(b1, grid_b, idx_b)

            @pl.when(t > 0)
            def _():
                drain_write(rows_b, swb)

            hb = fire_gathers(idx_b, rows_b, sgb)
            for h in ha:
                h.wait()
            pltpu.async_copy(rows_a, out_hbm.at[pl.ds(b0, chunk)], swa)
            for h in hb:
                h.wait()
            pltpu.async_copy(rows_b, out_hbm.at[pl.ds(b1, chunk)], swb)
            return carry

        lax.fori_loop(0, n_pairs, one_pair, 0)
        if tail:
            bt = chunk_base(n_chunks - 1)
            stage_idx(bt, grid_a, idx_a)
            drain_write(rows_a, swa)
            ha = fire_gathers(idx_a, rows_a, sga)
            for h in ha:
                h.wait()
            pltpu.async_copy(rows_a, out_hbm.at[pl.ds(bt, chunk)], swa)
        drain_write(rows_a, swa)
        drain_write(rows_b, swb)

    return gather


def kernel(grids, color_table, pos_embedding, W, b):
    batch, num_grids, h, w = grids.shape
    total_rows = batch * num_grids * h * w
    w1 = W[:, : EMBED // 2]
    w2 = W[:, EMBED // 2:]
    table = _build_table(color_table, pos_embedding, w1, w2, b)
    table2d = table.reshape(GRID_CELLS * NUM_COLORS, EMBED)
    g1d = grids.reshape(-1).astype(jnp.int32)
    out = _make_gather(total_rows, 192, max_idx=192)(g1d, table2d)
    return out.reshape(batch, num_grids * h * w, EMBED)

# --- scband reference (transcript-rebuilt; emitter-appended) ---
"""Pipeline reference for scband-grid-embedding-54193897341344 (READ-ONLY COPY).

The authoritative reference and input builder live on the scoring server;
editing this copy changes nothing except your own understanding.
"""

import jax, jax.numpy as jnp
import numpy as np

GRID_SIZE = 30
EMBED_DIM = 128
MAX_COLORS = 10
BATCH = 256
NUM_GRIDS = 2


def setup_inputs(seed: int = 0) -> dict:
    key = jax.random.key(seed)
    k1, k2, k3, k4, k5 = jax.random.split(key, 5)
    grids = jax.random.randint(k1, (BATCH, NUM_GRIDS, GRID_SIZE, GRID_SIZE), 0, MAX_COLORS + 1, dtype=jnp.int64 if jax.config.jax_enable_x64 else jnp.int32)
    half = EMBED_DIM // 2
    color_table = jax.random.normal(k2, (MAX_COLORS + 1, half), dtype=jnp.float32)
    pos_embedding = jax.random.normal(k3, (GRID_SIZE * GRID_SIZE, half), dtype=jnp.float32)
    # nn.Linear(embed_dim, embed_dim): W [out, in], b [out]
    bound = 1.0 / np.sqrt(EMBED_DIM)
    W = jax.random.uniform(k4, (EMBED_DIM, EMBED_DIM), minval=-bound, maxval=bound, dtype=jnp.float32)
    b = jax.random.uniform(k5, (EMBED_DIM,), minval=-bound, maxval=bound, dtype=jnp.float32)
    return {"grids": grids, "color_table": color_table, "pos_embedding": pos_embedding, "W": W, "b": b}


def reference(grids, color_table, pos_embedding, W, b):
    batch_size, num_grids, height, width = grids.shape
    grids_flat = grids.reshape(batch_size * num_grids, GRID_SIZE * GRID_SIZE)
    # embedding gather
    color_embeds = jnp.take(color_table, grids_flat, axis=0)  # (B*N, G*G, half)
    pos_embeds = jnp.broadcast_to(pos_embedding[None, :, :], (batch_size * num_grids, GRID_SIZE * GRID_SIZE, EMBED_DIM // 2))
    combined = jnp.concatenate([color_embeds, pos_embeds], axis=-1)  # (B*N, G*G, EMBED_DIM)
    embeddings = combined @ W.T + b
    embeddings = embeddings.reshape(batch_size, num_grids * GRID_SIZE * GRID_SIZE, EMBED_DIM)
    return embeddings

if __name__ == "__main__":
    import jax
    _d = setup_inputs()
    print(jax.jit(kernel)(*tuple(_d.values())))

</pallas_src>

<mosaic_0001>
#map = affine_map<(d0, d1) -> (0)>
#map1 = affine_map<(d0, d1) -> (0, 0)>
module attributes {stable_mosaic.version = 14 : i64} {
  func.func @gather(%arg0: i32, %arg1: i32, %arg2: memref<460800xi32, #tpu.memory_space<hbm>>, %arg3: memref<9900x128xf32, #tpu.memory_space<hbm>>, %arg4: memref<460800x128xf32, #tpu.memory_space<hbm>>, %arg5: memref<192xi32, #tpu.memory_space<vmem>>, %arg6: memref<192xi32, #tpu.memory_space<vmem>>, %arg7: memref<192xi32, #tpu.memory_space<vmem>>, %arg8: memref<192xi32, #tpu.memory_space<vmem>>, %arg9: memref<192x128xf32, #tpu.memory_space<vmem>>, %arg10: memref<192x128xf32, #tpu.memory_space<vmem>>, %arg11: memref<!tpu.dma_semaphore, #tpu.memory_space<semaphore_mem>>, %arg12: memref<!tpu.dma_semaphore, #tpu.memory_space<semaphore_mem>>, %arg13: memref<!tpu.dma_semaphore, #tpu.memory_space<semaphore_mem>>, %arg14: memref<!tpu.dma_semaphore, #tpu.memory_space<semaphore_mem>>, %arg15: memref<9900x128xf32, #tpu.memory_space<vmem_shared>>) attributes {dimension_semantics = [#tpu.dimension_semantics<core_parallel>, #tpu.dimension_semantics<subcore_parallel>], iteration_bounds = array<i64: 2, 16>, scalar_prefetch = 0 : i64, scratch_operands = 11 : i64, tpu.core_type = #tpu.core_type<sc_vector_subcore>, window_params = [{transform_indices = #map}, {transform_indices = #map1}, {transform_indices = #map1}]} {
    %mul3A = arith.constant 2 : i32
    %mul3A_0 = arith.muli %arg1, %mul3A : i32
    %add3A = arith.addi %mul3A_0, %arg0 : i32
    %iota3A = tpu.iota {dimensions = array<i32: 0>} : vector<16xi32>
    %eq3A = arith.constant 0 : i32
    %eq3A_1 = arith.cmpi eq, %arg1, %eq3A : i32
    %convert_element_type3A = arith.extui %eq3A_1 : i1 to i32
    %cond3A = arith.constant 0 : i32
    %cond3A_2 = arith.cmpi ne, %convert_element_type3A, %cond3A : i32
    scf.if %cond3A_2 {
      "tpu.region"() ({
        %run_scoped3A = tpu.sem_alloc : memref<!tpu.dma_semaphore, #tpu.memory_space<semaphore_mem>>
        tpu.enqueue_dma source(%arg3 : memref<9900x128xf32, #tpu.memory_space<hbm>>) target(%arg15 : memref<9900x128xf32, #tpu.memory_space<vmem_shared>>) target_semaphore(%run_scoped3A : memref<!tpu.dma_semaphore, #tpu.memory_space<semaphore_mem>>)
        tpu.wait_dma2 semaphore(%run_scoped3A : memref<!tpu.dma_semaphore, #tpu.memory_space<semaphore_mem>>) src(%arg3 : memref<9900x128xf32, #tpu.memory_space<hbm>>) dst(%arg15 : memref<9900x128xf32, #tpu.memory_space<vmem_shared>>)
        tpu.yield
      }) : () -> ()
    } else {
    }
    %barrier3A = arith.constant 0 : index
    tpu.barrier barrier_id(%barrier3A)
    %scan3A = arith.constant 0 : i32
    %scan3A_3 = arith.constant 0 : i32
    %scan3A_4 = arith.constant 37 : i32
    %scan3A_5 = arith.addi %scan3A_3, %scan3A_4 : i32
    %scan3A_6 = arith.constant 1 : i32
    scf.for %scan3A_261 = %scan3A_3 to %scan3A_5 step %scan3A_6  : i32 {
      %mul3A_262 = arith.constant 2 : i32
      %mul3A_263 = arith.muli %mul3A_262, %scan3A_261 : i32
      %mul3A_264 = arith.constant 32 : i32
      %mul3A_265 = arith.muli %mul3A_263, %mul3A_264 : i32
      %add3A_266 = arith.addi %mul3A_265, %add3A : i32
      %mul3A_267 = arith.constant 192 : i32
      %mul3A_268 = arith.muli %add3A_266, %mul3A_267 : i32
      %mul3A_269 = arith.constant 2 : i32
      %mul3A_270 = arith.muli %mul3A_269, %scan3A_261 : i32
      %add3A_271 = arith.constant 1 : i32
      %add3A_272 = arith.addi %mul3A_270, %add3A_271 : i32
      %mul3A_273 = arith.constant 32 : i32
      %mul3A_274 = arith.muli %add3A_272, %mul3A_273 : i32
      %add3A_275 = arith.addi %mul3A_274, %add3A : i32
      %mul3A_276 = arith.constant 192 : i32
      %mul3A_277 = arith.muli %add3A_275, %mul3A_276 : i32
      "tpu.region"() ({
        %run_scoped3A = tpu.sem_alloc : memref<!tpu.dma_semaphore, #tpu.memory_space<semaphore_mem>>
        %dma_start3A_759 = tpu.memref_slice %arg2[%mul3A_268] : memref<460800xi32, #tpu.memory_space<hbm>> -> memref<192xi32, #tpu.memory_space<hbm>>
        %dma_start3A_760 = tpu.memref_slice %arg2[%mul3A_268] : memref<460800xi32, #tpu.memory_space<hbm>> -> memref<192xi32, #tpu.memory_space<hbm>>
        tpu.enqueue_dma source(%dma_start3A_760 : memref<192xi32, #tpu.memory_space<hbm>>) target(%arg5 : memref<192xi32, #tpu.memory_space<vmem>>) target_semaphore(%run_scoped3A : memref<!tpu.dma_semaphore, #tpu.memory_space<semaphore_mem>>)
        %dma_wait3A_761 = tpu.memref_slice %arg2[%mul3A_268] : memref<460800xi32, #tpu.memory_space<hbm>> -> memref<192xi32, #tpu.memory_space<hbm>>
        %dma_wait3A_762 = tpu.memref_slice %arg2[%mul3A_268] : memref<460800xi32, #tpu.memory_space<hbm>> -> memref<192xi32, #tpu.memory_space<hbm>>
        tpu.wait_dma2 semaphore(%run_scoped3A : memref<!tpu.dma_semaphore, #tpu.memory_space<semaphore_mem>>) src(%dma_wait3A_762 : memref<192xi32, #tpu.memory_space<hbm>>) dst(%arg5 : memref<192xi32, #tpu.memory_space<vmem>>)
        tpu.yield
      }) : () -> ()
      %add3A_278 = arith.constant 0 : i32
      %add3A_279 = arith.addi %mul3A_268, %add3A_278 : i32
      %add3A_280 = vector.broadcast %add3A_279 : i32 to vector<16xi32>
      %add3A_281 = arith.addi %add3A_280, %iota3A : vector<16xi32>
      %rem3A_282 = arith.constant 900 : i32
      %rem3A_283 = vector.broadcast %rem3A_282 : i32 to vector<16xi32>
      %rem3A_284 = arith.remsi %add3A_281, %rem3A_283 : vector<16xi32>
      %mul3A_285 = arith.constant 11 : i32
      %mul3A_286 = vector.broadcast %mul3A_285 : i32 to vector<16xi32>
      %mul3A_287 = arith.muli %rem3A_284, %mul3A_286 : vector<16xi32>
      %get3A_288 = arith.constant 0 : index
      %get3A_289 = tpu.vector_load %arg5[%get3A_288] {strides = array<i32>} : memref<192xi32, #tpu.memory_space<vmem>>, vector<16xi32>,
      %get3A_290 = vector.shape_cast %get3A_289 : vector<16xi32> to vector<16xi32>
      %add3A_291 = arith.addi %mul3A_287, %get3A_290 : vector<16xi32>
      %swap3A_292 = arith.constant 0 : index
      %swap3A_293 = tpu.vector_load %arg7[%swap3A_292] {strides = array<i32>} : memref<192xi32, #tpu.memory_space<vmem>>, vector<16xi32>,
      %swap3A_294 = vector.shape_cast %swap3A_293 : vector<16xi32> to vector<16xi32>
      %swap3A_295 = vector.shape_cast %add3A_291 : vector<16xi32> to vector<16xi32>
      tpu.vector_store %arg7[%swap3A_292], %swap3A_295 {strides = array<i32>} : memref<192xi32, #tpu.memory_space<vmem>>, vector<16xi32>,
      %add3A_296 = arith.constant 16 : i32
      %add3A_297 = arith.addi %mul3A_268, %add3A_296 : i32
      %add3A_298 = vector.broadcast %add3A_297 : i32 to vector<16xi32>
      %add3A_299 = arith.addi %add3A_298, %iota3A : vector<16xi32>
      %rem3A_300 = arith.constant 900 : i32
      %rem3A_301 = vector.broadcast %rem3A_300 : i32 to vector<16xi32>
      %rem3A_302 = arith.remsi %add3A_299, %rem3A_301 : vector<16xi32>
      %mul3A_303 = arith.constant 11 : i32
      %mul3A_304 = vector.broadcast %mul3A_303 : i32 to vector<16xi32>
      %mul3A_305 = arith.muli %rem3A_302, %mul3A_304 : vector<16xi32>
      %get3A_306 = arith.constant 16 : index
      %get3A_307 = tpu.vector_load %arg5[%get3A_306] {strides = array<i32>} : memref<192xi32, #tpu.memory_space<vmem>>, vector<16xi32>,
      %get3A_308 = vector.shape_cast %get3A_307 : vector<16xi32> to vector<16xi32>
      %add3A_309 = arith.addi %mul3A_305, %get3A_308 : vector<16xi32>
      %swap3A_310 = arith.constant 16 : index
      %swap3A_311 = tpu.vector_load %arg7[%swap3A_310] {strides = array<i32>} : memref<192xi32, #tpu.memory_space<vmem>>, vector<16xi32>,
      %swap3A_312 = vector.shape_cast %swap3A_311 : vector<16xi32> to vector<16xi32>
      %swap3A_313 = vector.shape_cast %add3A_309 : vector<16xi32> to vector<16xi32>
      tpu.vector_store %arg7[%swap3A_310], %swap3A_313 {strides = array<i32>} : memref<192xi32, #tpu.memory_space<vmem>>, vector<16xi32>,
      %add3A_314 = arith.constant 32 : i32
      %add3A_315 = arith.addi %mul3A_268, %add3A_314 : i32
      %add3A_316 = vector.broadcast %add3A_315 : i32 to vector<16xi32>
      %add3A_317 = arith.addi %add3A_316, %iota3A : vector<16xi32>
      %rem3A_318 = arith.constant 900 : i32
      %rem3A_319 = vector.broadcast %rem3A_318 : i32 to vector<16xi32>
      %rem3A_320 = arith.remsi %add3A_317, %rem3A_319 : vector<16xi32>
      %mul3A_321 = arith.constant 11 : i32
      %mul3A_322 = vector.broadcast %mul3A_321 : i32 to vector<16xi32>
      %mul3A_323 = arith.muli %rem3A_320, %mul3A_322 : vector<16xi32>
      %get3A_324 = arith.constant 32 : index
      %get3A_325 = tpu.vector_load %arg5[%get3A_324] {strides = array<i32>} : memref<192xi32, #tpu.memory_space<vmem>>, vector<16xi32>,
      %get3A_326 = vector.shape_cast %get3A_325 : vector<16xi32> to vector<16xi32>
      %add3A_327 = arith.addi %mul3A_323, %get3A_326 : vector<16xi32>
      %swap3A_328 = arith.constant 32 : index
      %swap3A_329 = tpu.vector_load %arg7[%swap3A_328] {strides = array<i32>} : memref<192xi32, #tpu.memory_space<vmem>>, vector<16xi32>,
      %swap3A_330 = vector.shape_cast %swap3A_329 : vector<16xi32> to vector<16xi32>
      %swap3A_331 = vector.shape_cast %add3A_327 : vector<16xi32> to vector<16xi32>
      tpu.vector_store %arg7[%swap3A_328], %swap3A_331 {strides = array<i32>} : memref<192xi32, #tpu.memory_space<vmem>>, vector<16xi32>,
      %add3A_332 = arith.constant 48 : i32
      %add3A_333 = arith.addi %mul3A_268, %add3A_332 : i32
      %add3A_334 = vector.broadcast %add3A_333 : i32 to vector<16xi32>
      %add3A_335 = arith.addi %add3A_334, %iota3A : vector<16xi32>
      %rem3A_336 = arith.constant 900 : i32
      %rem3A_337 = vector.broadcast %rem3A_336 : i32 to vector<16xi32>
      %rem3A_338 = arith.remsi %add3A_335, %rem3A_337 : vector<16xi32>
      %mul3A_339 = arith.constant 11 : i32
      %mul3A_340 = vector.broadcast %mul3A_339 : i32 to vector<16xi32>
      %mul3A_341 = arith.muli %rem3A_338, %mul3A_340 : vector<16xi32>
      %get3A_342 = arith.constant 48 : index
      %get3A_343 = tpu.vector_load %arg5[%get3A_342] {strides = array<i32>} : memref<192xi32, #tpu.memory_space<vmem>>, vector<16xi32>,
      %get3A_344 = vector.shape_cast %get3A_343 : vector<16xi32> to vector<16xi32>
      %add3A_345 = arith.addi %mul3A_341, %get3A_344 : vector<16xi32>
      %swap3A_346 = arith.constant 48 : index
      %swap3A_347 = tpu.vector_load %arg7[%swap3A_346] {strides = array<i32>} : memref<192xi32, #tpu.memory_space<vmem>>, vector<16xi32>,
      %swap3A_348 = vector.shape_cast %swap3A_347 : vector<16xi32> to vector<16xi32>
      %swap3A_349 = vector.shape_cast %add3A_345 : vector<16xi32> to vector<16xi32>
      tpu.vector_store %arg7[%swap3A_346], %swap3A_349 {strides = array<i32>} : memref<192xi32, #tpu.memory_space<vmem>>, vector<16xi32>,
      %add3A_350 = arith.constant 64 : i32
      %add3A_351 = arith.addi %mul3A_268, %add3A_350 : i32
      %add3A_352 = vector.broadcast %add3A_351 : i32 to vector<16xi32>
      %add3A_353 = arith.addi %add3A_352, %iota3A : vector<16xi32>
      %rem3A_354 = arith.constant 900 : i32
      %rem3A_355 = vector.broadcast %rem3A_354 : i32 to vector<16xi32>
      %rem3A_356 = arith.remsi %add3A_353, %rem3A_355 : vector<16xi32>
      %mul3A_357 = arith.constant 11 : i32
      %mul3A_358 = vector.broadcast %mul3A_357 : i32 to vector<16xi32>
      %mul3A_359 = arith.muli %rem3A_356, %mul3A_358 : vector<16xi32>
      %get3A_360 = arith.constant 64 : index
      %get3A_361 = tpu.vector_load %arg5[%get3A_360] {strides = array<i32>} : memref<192xi32, #tpu.memory_space<vmem>>, vector<16xi32>,
      %get3A_362 = vector.shape_cast %get3A_361 : vector<16xi32> to vector<16xi32>
      %add3A_363 = arith.addi %mul3A_359, %get3A_362 : vector<16xi32>
      %swap3A_364 = arith.constant 64 : index
      %swap3A_365 = tpu.vector_load %arg7[%swap3A_364] {strides = array<i32>} : memref<192xi32, #tpu.memory_space<vmem>>, vector<16xi32>,
      %swap3A_366 = vector.shape_cast %swap3A_365 : vector<16xi32> to vector<16xi32>
      %swap3A_367 = vector.shape_cast %add3A_363 : vector<16xi32> to vector<16xi32>
      tpu.vector_store %arg7[%swap3A_364], %swap3A_367 {strides = array<i32>} : memref<192xi32, #tpu.memory_space<vmem>>, vector<16xi32>,
      %add3A_368 = arith.constant 80 : i32
      %add3A_369 = arith.addi %mul3A_268, %add3A_368 : i32
      %add3A_370 = vector.broadcast %add3A_369 : i32 to vector<16xi32>
      %add3A_371 = arith.addi %add3A_370, %iota3A : vector<16xi32>
      %rem3A_372 = arith.constant 900 : i32
      %rem3A_373 = vector.broadcast %rem3A_372 : i32 to vector<16xi32>
      %rem3A_374 = arith.remsi %add3A_371, %rem3A_373 : vector<16xi32>
      %mul3A_375 = arith.constant 11 : i32
      %mul3A_376 = vector.broadcast %mul3A_375 : i32 to vector<16xi32>
      %mul3A_377 = arith.muli %rem3A_374, %mul3A_376 : vector<16xi32>
      %get3A_378 = arith.constant 80 : index
      %get3A_379 = tpu.vector_load %arg5[%get3A_378] {strides = array<i32>} : memref<192xi32, #tpu.memory_space<vmem>>, vector<16xi32>,
      %get3A_380 = vector.shape_cast %get3A_379 : vector<16xi32> to vector<16xi32>
      %add3A_381 = arith.addi %mul3A_377, %get3A_380 : vector<16xi32>
      %swap3A_382 = arith.constant 80 : index
      %swap3A_383 = tpu.vector_load %arg7[%swap3A_382] {strides = array<i32>} : memref<192xi32, #tpu.memory_space<vmem>>, vector<16xi32>,
      %swap3A_384 = vector.shape_cast %swap3A_383 : vector<16xi32> to vector<16xi32>
      %swap3A_385 = vector.shape_cast %add3A_381 : vector<16xi32> to vector<16xi32>
      tpu.vector_store %arg7[%swap3A_382], %swap3A_385 {strides = array<i32>} : memref<192xi32, #tpu.memory_space<vmem>>, vector<16xi32>,
      %add3A_386 = arith.constant 96 : i32
      %add3A_387 = arith.addi %mul3A_268, %add3A_386 : i32
      %add3A_388 = vector.broadcast %add3A_387 : i32 to vector<16xi32>
      %add3A_389 = arith.addi %add3A_388, %iota3A : vector<16xi32>
      %rem3A_390 = arith.constant 900 : i32
      %rem3A_391 = vector.broadcast %rem3A_390 : i32 to vector<16xi32>
      %rem3A_392 = arith.remsi %add3A_389, %rem3A_391 : vector<16xi32>
      %mul3A_393 = arith.constant 11 : i32
      %mul3A_394 = vector.broadcast %mul3A_393 : i32 to vector<16xi32>
      %mul3A_395 = arith.muli %rem3A_392, %mul3A_394 : vector<16xi32>
      %get3A_396 = arith.constant 96 : index
      %get3A_397 = tpu.vector_load %arg5[%get3A_396] {strides = array<i32>} : memref<192xi32, #tpu.memory_space<vmem>>, vector<16xi32>,
      %get3A_398 = vector.shape_cast %get3A_397 : vector<16xi32> to vector<16xi32>
      %add3A_399 = arith.addi %mul3A_395, %get3A_398 : vector<16xi32>
      %swap3A_400 = arith.constant 96 : index
      %swap3A_401 = tpu.vector_load %arg7[%swap3A_400] {strides = array<i32>} : memref<192xi32, #tpu.memory_space<vmem>>, vector<16xi32>,
      %swap3A_402 = vector.shape_cast %swap3A_401 : vector<16xi32> to vector<16xi32>
      %swap3A_403 = vector.shape_cast %add3A_399 : vector<16xi32> to vector<16xi32>
      tpu.vector_store %arg7[%swap3A_400], %swap3A_403 {strides = array<i32>} : memref<192xi32, #tpu.memory_space<vmem>>, vector<16xi32>,
      %add3A_404 = arith.constant 112 : i32
      %add3A_405 = arith.addi %mul3A_268, %add3A_404 : i32
      %add3A_406 = vector.broadcast %add3A_405 : i32 to vector<16xi32>
      %add3A_407 = arith.addi %add3A_406, %iota3A : vector<16xi32>
      %rem3A_408 = arith.constant 900 : i32
      %rem3A_409 = vector.broadcast %rem3A_408 : i32 to vector<16xi32>
      %rem3A_410 = arith.remsi %add3A_407, %rem3A_409 : vector<16xi32>
      %mul3A_411 = arith.constant 11 : i32
      %mul3A_412 = vector.broadcast %mul3A_411 : i32 to vector<16xi32>
      %mul3A_413 = arith.muli %rem3A_410, %mul3A_412 : vector<16xi32>
      %get3A_414 = arith.constant 112 : index
      %get3A_415 = tpu.vector_load %arg5[%get3A_414] {strides = array<i32>} : memref<192xi32, #tpu.memory_space<vmem>>, vector<16xi32>,
      %get3A_416 = vector.shape_cast %get3A_415 : vector<16xi32> to vector<16xi32>
      %add3A_417 = arith.addi %mul3A_413, %get3A_416 : vector<16xi32>
      %swap3A_418 = arith.constant 112 : index
      %swap3A_419 = tpu.vector_load %arg7[%swap3A_418] {strides = array<i32>} : memref<192xi32, #tpu.memory_space<vmem>>, vector<16xi32>,
      %swap3A_420 = vector.shape_cast %swap3A_419 : vector<16xi32> to vector<16xi32>
      %swap3A_421 = vector.shape_cast %add3A_417 : vector<16xi32> to vector<16xi32>
      tpu.vector_store %arg7[%swap3A_418], %swap3A_421 {strides = array<i32>} : memref<192xi32, #tpu.memory_space<vmem>>, vector<16xi32>,
      %add3A_422 = arith.constant 128 : i32
      %add3A_423 = arith.addi %mul3A_268, %add3A_422 : i32
      %add3A_424 = vector.broadcast %add3A_423 : i32 to vector<16xi32>
      %add3A_425 = arith.addi %add3A_424, %iota3A : vector<16xi32>
      %rem3A_426 = arith.constant 900 : i32
      %rem3A_427 = vector.broadcast %rem3A_426 : i32 to vector<16xi32>
      %rem3A_428 = arith.remsi %add3A_425, %rem3A_427 : vector<16xi32>
      %mul3A_429 = arith.constant 11 : i32
      %mul3A_430 = vector.broadcast %mul3A_429 : i32 to vector<16xi32>
      %mul3A_431 = arith.muli %rem3A_428, %mul3A_430 : vector<16xi32>
      %get3A_432 = arith.constant 128 : index
      %get3A_433 = tpu.vector_load %arg5[%get3A_432] {strides = array<i32>} : memref<192xi32, #tpu.memory_space<vmem>>, vector<16xi32>,
      %get3A_434 = vector.shape_cast %get3A_433 : vector<16xi32> to vector<16xi32>
      %add3A_435 = arith.addi %mul3A_431, %get3A_434 : vector<16xi32>
      %swap3A_436 = arith.constant 128 : index
      %swap3A_437 = tpu.vector_load %arg7[%swap3A_436] {strides = array<i32>} : memref<192xi32, #tpu.memory_space<vmem>>, vector<16xi32>,
      %swap3A_438 = vector.shape_cast %swap3A_437 : vector<16xi32> to vector<16xi32>
      %swap3A_439 = vector.shape_cast %add3A_435 : vector<16xi32> to vector<16xi32>
      tpu.vector_store %arg7[%swap3A_436], %swap3A_439 {strides = array<i32>} : memref<192xi32, #tpu.memory_space<vmem>>, vector<16xi32>,
      %add3A_440 = arith.constant 144 : i32
      %add3A_441 = arith.addi %mul3A_268, %add3A_440 : i32
      %add3A_442 = vector.broadcast %add3A_441 : i32 to vector<16xi32>
      %add3A_443 = arith.addi %add3A_442, %iota3A : vector<16xi32>
      %rem3A_444 = arith.constant 900 : i32
      %rem3A_445 = vector.broadcast %rem3A_444 : i32 to vector<16xi32>
      %rem3A_446 = arith.remsi %add3A_443, %rem3A_445 : vector<16xi32>
      %mul3A_447 = arith.constant 11 : i32
      %mul3A_448 = vector.broadcast %mul3A_447 : i32 to vector<16xi32>
      %mul3A_449 = arith.muli %rem3A_446, %mul3A_448 : vector<16xi32>
      %get3A_450 = arith.constant 144 : index
      %get3A_451 = tpu.vector_load %arg5[%get3A_450] {strides = array<i32>} : memref<192xi32, #tpu.memory_space<vmem>>, vector<16xi32>,
      %get3A_452 = vector.shape_cast %get3A_451 : vector<16xi32> to vector<16xi32>
      %add3A_453 = arith.addi %mul3A_449, %get3A_452 : vector<16xi32>
      %swap3A_454 = arith.constant 144 : index
      %swap3A_455 = tpu.vector_load %arg7[%swap3A_454] {strides = array<i32>} : memref<192xi32, #tpu.memory_space<vmem>>, vector<16xi32>,
      %swap3A_456 = vector.shape_cast %swap3A_455 : vector<16xi32> to vector<16xi32>
      %swap3A_457 = vector.shape_cast %add3A_453 : vector<16xi32> to vector<16xi32>
      tpu.vector_store %arg7[%swap3A_454], %swap3A_457 {strides = array<i32>} : memref<192xi32, #tpu.memory_space<vmem>>, vector<16xi32>,
      %add3A_458 = arith.constant 160 : i32
      %add3A_459 = arith.addi %mul3A_268, %add3A_458 : i32
      %add3A_460 = vector.broadcast %add3A_459 : i32 to vector<16xi32>
      %add3A_461 = arith.addi %add3A_460, %iota3A : vector<16xi32>
      %rem3A_462 = arith.constant 900 : i32
      %rem3A_463 = vector.broadcast %rem3A_462 : i32 to vector<16xi32>
      %rem3A_464 = arith.remsi %add3A_461, %rem3A_463 : vector<16xi32>
      %mul3A_465 = arith.constant 11 : i32
      %mul3A_466 = vector.broadcast %mul3A_465 : i32 to vector<16xi32>
      %mul3A_467 = arith.muli %rem3A_464, %mul3A_466 : vector<16xi32>
      %get3A_468 = arith.constant 160 : index
      %get3A_469 = tpu.vector_load %arg5[%get3A_468] {strides = array<i32>} : memref<192xi32, #tpu.memory_space<vmem>>, vector<16xi32>,
      %get3A_470 = vector.shape_cast %get3A_469 : vector<16xi32> to vector<16xi32>
      %add3A_471 = arith.addi %mul3A_467, %get3A_470 : vector<16xi32>
      %swap3A_472 = arith.constant 160 : index
      %swap3A_473 = tpu.vector_load %arg7[%swap3A_472] {strides = array<i32>} : memref<192xi32, #tpu.memory_space<vmem>>, vector<16xi32>,
      %swap3A_474 = vector.shape_cast %swap3A_473 : vector<16xi32> to vector<16xi32>
      %swap3A_475 = vector.shape_cast %add3A_471 : vector<16xi32> to vector<16xi32>
      tpu.vector_store %arg7[%swap3A_472], %swap3A_475 {strides = array<i32>} : memref<192xi32, #tpu.memory_space<vmem>>, vector<16xi32>,
      %add3A_476 = arith.constant 176 : i32
      %add3A_477 = arith.addi %mul3A_268, %add3A_476 : i32
      %add3A_478 = vector.broadcast %add3A_477 : i32 to vector<16xi32>
      %add3A_479 = arith.addi %add3A_478, %iota3A : vector<16xi32>
      %rem3A_480 = arith.constant 900 : i32
      %rem3A_481 = vector.broadcast %rem3A_480 : i32 to vector<16xi32>
      %rem3A_482 = arith.remsi %add3A_479, %rem3A_481 : vector<16xi32>
      %mul3A_483 = arith.constant 11 : i32
      %mul3A_484 = vector.broadcast %mul3A_483 : i32 to vector<16xi32>
      %mul3A_485 = arith.muli %rem3A_482, %mul3A_484 : vector<16xi32>
      %get3A_486 = arith.constant 176 : index
      %get3A_487 = tpu.vector_load %arg5[%get3A_486] {strides = array<i32>} : memref<192xi32, #tpu.memory_space<vmem>>, vector<16xi32>,
      %get3A_488 = vector.shape_cast %get3A_487 : vector<16xi32> to vector<16xi32>
      %add3A_489 = arith.addi %mul3A_485, %get3A_488 : vector<16xi32>
      %swap3A_490 = arith.constant 176 : index
      %swap3A_491 = tpu.vector_load %arg7[%swap3A_490] {strides = array<i32>} : memref<192xi32, #tpu.memory_space<vmem>>, vector<16xi32>,
      %swap3A_492 = vector.shape_cast %swap3A_491 : vector<16xi32> to vector<16xi32>
      %swap3A_493 = vector.shape_cast %add3A_489 : vector<16xi32> to vector<16xi32>
      tpu.vector_store %arg7[%swap3A_490], %swap3A_493 {strides = array<i32>} : memref<192xi32, #tpu.memory_space<vmem>>, vector<16xi32>,
      %gt3A = arith.constant 0 : i32
      %gt3A_494 = arith.cmpi sgt, %scan3A_261, %gt3A : i32
      %convert_element_type3A_495 = arith.extui %gt3A_494 : i1 to i32
      %cond3A_496 = arith.constant 0 : i32
      %cond3A_497 = arith.cmpi ne, %convert_element_type3A_495, %cond3A_496 : i32
      scf.if %cond3A_497 {
        %dma_wait3A_759 = arith.constant 0 : i32
        %dma_wait3A_760 = arith.constant 0 : i32
        %dma_wait3A_761 = tpu.memref_slice %arg4[%dma_wait3A_759, %dma_wait3A_760] : memref<460800x128xf32, #tpu.memory_space<hbm>> -> memref<192x128xf32, #tpu.memory_space<hbm>>
        %dma_wait3A_762 = arith.constant 0 : i32
        %dma_wait3A_763 = arith.constant 0 : i32
        %dma_wait3A_764 = tpu.memref_slice %arg4[%dma_wait3A_762, %dma_wait3A_763] : memref<460800x128xf32, #tpu.memory_space<hbm>> -> memref<192x128xf32, #tpu.memory_space<hbm>>
        tpu.wait_dma2 semaphore(%arg13 : memref<!tpu.dma_semaphore, #tpu.memory_space<semaphore_mem>>) src(%arg9 : memref<192x128xf32, #tpu.memory_space<vmem>>) dst(%dma_wait3A_764 : memref<192x128xf32, #tpu.memory_space<hbm>>)
      } else {
      }
      %dma_start3A_498 = arith.constant 0 : i32
      %dma_start3A_499 = arith.constant 0 : i32
      %dma_start3A_500 = tpu.memref_slice %arg9[%dma_start3A_498, %dma_start3A_499] : memref<192x128xf32, #tpu.memory_space<vmem>> -> memref<192x128xf32, #tpu.memory_space<vmem>>
      %dma_start3A_501 = arith.constant 0 : i32
      %dma_start3A_502 = tpu.memref_slice %arg7[%dma_start3A_501] : memref<192xi32, #tpu.memory_space<vmem>> -> memref<192xi32, #tpu.memory_space<vmem>>
      %dma_start3A_503 = arith.constant 0 : i32
      %dma_start3A_504 = arith.constant 0 : i32
      %dma_start3A_505 = tpu.memref_slice %arg15[%dma_start3A_503, %dma_start3A_504] : memref<9900x128xf32, #tpu.memory_space<vmem_shared>> -> memref<9900x128xf32, #tpu.memory_space<vmem_shared>>
      tpu.enqueue_indirect_dma source(%dma_start3A_505 : memref<9900x128xf32, #tpu.memory_space<vmem_shared>>) target(%dma_start3A_500 : memref<192x128xf32, #tpu.memory_space<vmem>>) offsets(%dma_start3A_502 : memref<192xi32, #tpu.memory_space<vmem>>) semaphore(%arg11 : memref<!tpu.dma_semaphore, #tpu.memory_space<semaphore_mem>>)
      "tpu.region"() ({
        %run_scoped3A = tpu.sem_alloc : memref<!tpu.dma_semaphore, #tpu.memory_space<semaphore_mem>>
        %dma_start3A_759 = tpu.memref_slice %arg2[%mul3A_277] : memref<460800xi32, #tpu.memory_space<hbm>> -> memref<192xi32, #tpu.memory_space<hbm>>
        %dma_start3A_760 = tpu.memref_slice %arg2[%mul3A_277] : memref<460800xi32, #tpu.memory_space<hbm>> -> memref<192xi32, #tpu.memory_space<hbm>>
        tpu.enqueue_dma source(%dma_start3A_760 : memref<192xi32, #tpu.memory_space<hbm>>) target(%arg6 : memref<192xi32, #tpu.memory_space<vmem>>) target_semaphore(%run_scoped3A : memref<!tpu.dma_semaphore, #tpu.memory_space<semaphore_mem>>)
        %dma_wait3A_761 = tpu.memref_slice %arg2[%mul3A_277] : memref<460800xi32, #tpu.memory_space<hbm>> -> memref<192xi32, #tpu.memory_space<hbm>>
        %dma_wait3A_762 = tpu.memref_slice %arg2[%mul3A_277] : memref<460800xi32, #tpu.memory_space<hbm>> -> memref<192xi32, #tpu.memory_space<hbm>>
        tpu.wait_dma2 semaphore(%run_scoped3A : memref<!tpu.dma_semaphore, #tpu.memory_space<semaphore_mem>>) src(%dma_wait3A_762 : memref<192xi32, #tpu.memory_space<hbm>>) dst(%arg6 : memref<192xi32, #tpu.memory_space<vmem>>)
        tpu.yield
      }) : () -> ()
      %add3A_506 = arith.constant 0 : i32
      %add3A_507 = arith.addi %mul3A_277, %add3A_506 : i32
      %add3A_508 = vector.broadcast %add3A_507 : i32 to vector<16xi32>
      %add3A_509 = arith.addi %add3A_508, %iota3A : vector<16xi32>
      %rem3A_510 = arith.constant 900 : i32
      %rem3A_511 = vector.broadcast %rem3A_510 : i32 to vector<16xi32>
      %rem3A_512 = arith.remsi %add3A_509, %rem3A_511 : vector<16xi32>
      %mul3A_513 = arith.constant 11 : i32
      %mul3A_514 = vector.broadcast %mul3A_513 : i32 to vector<16xi32>
      %mul3A_515 = arith.muli %rem3A_512, %mul3A_514 : vector<16xi32>
      %get3A_516 = arith.constant 0 : index
      %get3A_517 = tpu.vector_load %arg6[%get3A_516] {strides = array<i32>} : memref<192xi32, #tpu.memory_space<vmem>>, vector<16xi32>,
      %get3A_518 = vector.shape_cast %get3A_517 : vector<16xi32> to vector<16xi32>
      %add3A_519 = arith.addi %mul3A_515, %get3A_518 : vector<16xi32>
      %swap3A_520 = arith.constant 0 : index
      %swap3A_521 = tpu.vector_load %arg8[%swap3A_520] {strides = array<i32>} : memref<192xi32, #tpu.memory_space<vmem>>, vector<16xi32>,
      %swap3A_522 = vector.shape_cast %swap3A_521 : vector<16xi32> to vector<16xi32>
      %swap3A_523 = vector.shape_cast %add3A_519 : vector<16xi32> to vector<16xi32>
      tpu.vector_store %arg8[%swap3A_520], %swap3A_523 {strides = array<i32>} : memref<192xi32, #tpu.memory_space<vmem>>, vector<16xi32>,
      %add3A_524 = arith.constant 16 : i32
      %add3A_525 = arith.addi %mul3A_277, %add3A_524 : i32
      %add3A_526 = vector.broadcast %add3A_525 : i32 to vector<16xi32>
      %add3A_527 = arith.addi %add3A_526, %iota3A : vector<16xi32>
      %rem3A_528 = arith.constant 900 : i32
      %rem3A_529 = vector.broadcast %rem3A_528 : i32 to vector<16xi32>
      %rem3A_530 = arith.remsi %add3A_527, %rem3A_529 : vector<16xi32>
      %mul3A_531 = arith.constant 11 : i32
      %mul3A_532 = vector.broadcast %mul3A_531 : i32 to vector<16xi32>
      %mul3A_533 = arith.muli %rem3A_530, %mul3A_532 : vector<16xi32>
      %get3A_534 = arith.constant 16 : index
      %get3A_535 = tpu.vector_load %arg6[%get3A_534] {strides = array<i32>} : memref<192xi32, #tpu.memory_space<vmem>>, vector<16xi32>,
      %get3A_536 = vector.shape_cast %get3A_535 : vector<16xi32> to vector<16xi32>
      %add3A_537 = arith.addi %mul3A_533, %get3A_536 : vector<16xi32>
      %swap3A_538 = arith.constant 16 : index
      %swap3A_539 = tpu.vector_load %arg8[%swap3A_538] {strides = array<i32>} : memref<192xi32, #tpu.memory_space<vmem>>, vector<16xi32>,
      %swap3A_540 = vector.shape_cast %swap3A_539 : vector<16xi32> to vector<16xi32>
      %swap3A_541 = vector.shape_cast %add3A_537 : vector<16xi32> to vector<16xi32>
      tpu.vector_store %arg8[%swap3A_538], %swap3A_541 {strides = array<i32>} : memref<192xi32, #tpu.memory_space<vmem>>, vector<16xi32>,
      %add3A_542 = arith.constant 32 : i32
      %add3A_543 = arith.addi %mul3A_277, %add3A_542 : i32
      %add3A_544 = vector.broadcast %add3A_543 : i32 to vector<16xi32>
      %add3A_545 = arith.addi %add3A_544, %iota3A : vector<16xi32>
      %rem3A_546 = arith.constant 900 : i32
      %rem3A_547 = vector.broadcast %rem3A_546 : i32 to vector<16xi32>
      %rem3A_548 = arith.remsi %add3A_545, %rem3A_547 : vector<16xi32>
      %mul3A_549 = arith.constant 11 : i32
      %mul3A_550 = vector.broadcast %mul3A_549 : i32 to vector<16xi32>
      %mul3A_551 = arith.muli %rem3A_548, %mul3A_550 : vector<16xi32>
      %get3A_552 = arith.constant 32 : index
      %get3A_553 = tpu.vector_load %arg6[%get3A_552] {strides = array<i32>} : memref<192xi32, #tpu.memory_space<vmem>>, vector<16xi32>,
      %get3A_554 = vector.shape_cast %get3A_553 : vector<16xi32> to vector<16xi32>
      %add3A_555 = arith.addi %mul3A_551, %get3A_554 : vector<16xi32>
      %swap3A_556 = arith.constant 32 : index
      %swap3A_557 = tpu.vector_load %arg8[%swap3A_556] {strides = array<i32>} : memref<192xi32, #tpu.memory_space<vmem>>, vector<16xi32>,
      %swap3A_558 = vector.shape_cast %swap3A_557 : vector<16xi32> to vector<16xi32>
      %swap3A_559 = vector.shape_cast %add3A_555 : vector<16xi32> to vector<16xi32>
      tpu.vector_store %arg8[%swap3A_556], %swap3A_559 {strides = array<i32>} : memref<192xi32, #tpu.memory_space<vmem>>, vector<16xi32>,
      %add3A_560 = arith.constant 48 : i32
      %add3A_561 = arith.addi %mul3A_277, %add3A_560 : i32
      %add3A_562 = vector.broadcast %add3A_561 : i32 to vector<16xi32>
      %add3A_563 = arith.addi %add3A_562, %iota3A : vector<16xi32>
      %rem3A_564 = arith.constant 900 : i32
      %rem3A_565 = vector.broadcast %rem3A_564 : i32 to vector<16xi32>
      %rem3A_566 = arith.remsi %add3A_563, %rem3A_565 : vector<16xi32>
      %mul3A_567 = arith.constant 11 : i32
      %mul3A_568 = vector.broadcast %mul3A_567 : i32 to vector<16xi32>
      %mul3A_569 = arith.muli %rem3A_566, %mul3A_568 : vector<16xi32>
      %get3A_570 = arith.constant 48 : index
      %get3A_571 = tpu.vector_load %arg6[%get3A_570] {strides = array<i32>} : memref<192xi32, #tpu.memory_space<vmem>>, vector<16xi32>,
      %get3A_572 = vector.shape_cast %get3A_571 : vector<16xi32> to vector<16xi32>
      %add3A_573 = arith.addi %mul3A_569, %get3A_572 : vector<16xi32>
      %swap3A_574 = arith.constant 48 : index
      %swap3A_575 = tpu.vector_load %arg8[%swap3A_574] {strides = array<i32>} : memref<192xi32, #tpu.memory_space<vmem>>, vector<16xi32>,
      %swap3A_576 = vector.shape_cast %swap3A_575 : vector<16xi32> to vector<16xi32>
      %swap3A_577 = vector.shape_cast %add3A_573 : vector<16xi32> to vector<16xi32>
      tpu.vector_store %arg8[%swap3A_574], %swap3A_577 {strides = array<i32>} : memref<192xi32, #tpu.memory_space<vmem>>, vector<16xi32>,
      %add3A_578 = arith.constant 64 : i32
      %add3A_579 = arith.addi %mul3A_277, %add3A_578 : i32
      %add3A_580 = vector.broadcast %add3A_579 : i32 to vector<16xi32>
      %add3A_581 = arith.addi %add3A_580, %iota3A : vector<16xi32>
      %rem3A_582 = arith.constant 900 : i32
      %rem3A_583 = vector.broadcast %rem3A_582 : i32 to vector<16xi32>
      %rem3A_584 = arith.remsi %add3A_581, %rem3A_583 : vector<16xi32>
      %mul3A_585 = arith.constant 11 : i32
      %mul3A_586 = vector.broadcast %mul3A_585 : i32 to vector<16xi32>
      %mul3A_587 = arith.muli %rem3A_584, %mul3A_586 : vector<16xi32>
      %get3A_588 = arith.constant 64 : index
      %get3A_589 = tpu.vector_load %arg6[%get3A_588] {strides = array<i32>} : memref<192xi32, #tpu.memory_space<vmem>>, vector<16xi32>,
      %get3A_590 = vector.shape_cast %get3A_589 : vector<16xi32> to vector<16xi32>
      %add3A_591 = arith.addi %mul3A_587, %get3A_590 : vector<16xi32>
      %swap3A_592 = arith.constant 64 : index
      %swap3A_593 = tpu.vector_load %arg8[%swap3A_592] {strides = array<i32>} : memref<192xi32, #tpu.memory_space<vmem>>, vector<16xi32>,
      %swap3A_594 = vector.shape_cast %swap3A_593 : vector<16xi32> to vector<16xi32>
      %swap3A_595 = vector.shape_cast %add3A_591 : vector<16xi32> to vector<16xi32>
      tpu.vector_store %arg8[%swap3A_592], %swap3A_595 {strides = array<i32>} : memref<192xi32, #tpu.memory_space<vmem>>, vector<16xi32>,
      %add3A_596 = arith.constant 80 : i32
      %add3A_597 = arith.addi %mul3A_277, %add3A_596 : i32
      %add3A_598 = vector.broadcast %add3A_597 : i32 to vector<16xi32>
      %add3A_599 = arith.addi %add3A_598, %iota3A : vector<16xi32>
      %rem3A_600 = arith.constant 900 : i32
      %rem3A_601 = vector.broadcast %rem3A_600 : i32 to vector<16xi32>
      %rem3A_602 = arith.remsi %add3A_599, %rem3A_601 : vector<16xi32>
      %mul3A_603 = arith.constant 11 : i32
      %mul3A_604 = vector.broadcast %mul3A_603 : i32 to vector<16xi32>
      %mul3A_605 = arith.muli %rem3A_602, %mul3A_604 : vector<16xi32>
      %get3A_606 = arith.constant 80 : index
      %get3A_607 = tpu.vector_load %arg6[%get3A_606] {strides = array<i32>} : memref<192xi32, #tpu.memory_space<vmem>>, vector<16xi32>,
      %get3A_608 = vector.shape_cast %get3A_607 : vector<16xi32> to vector<16xi32>
      %add3A_609 = arith.addi %mul3A_605, %get3A_608 : vector<16xi32>
      %swap3A_610 = arith.constant 80 : index
      %swap3A_611 = tpu.vector_load %arg8[%swap3A_610] {strides = array<i32>} : memref<192xi32, #tpu.memory_space<vmem>>, vector<16xi32>,
      %swap3A_612 = vector.shape_cast %swap3A_611 : vector<16xi32> to vector<16xi32>
      %swap3A_613 = vector.shape_cast %add3A_609 : vector<16xi32> to vector<16xi32>
      tpu.vector_store %arg8[%swap3A_610], %swap3A_613 {strides = array<i32>} : memref<192xi32, #tpu.memory_space<vmem>>, vector<16xi32>,
      %add3A_614 = arith.constant 96 : i32
      %add3A_615 = arith.addi %mul3A_277, %add3A_614 : i32
      %add3A_616 = vector.broadcast %add3A_615 : i32 to vector<16xi32>
      %add3A_617 = arith.addi %add3A_616, %iota3A : vector<16xi32>
      %rem3A_618 = arith.constant 900 : i32
      %rem3A_619 = vector.broadcast %rem3A_618 : i32 to vector<16xi32>
      %rem3A_620 = arith.remsi %add3A_617, %rem3A_619 : vector<16xi32>
      %mul3A_621 = arith.constant 11 : i32
      %mul3A_622 = vector.broadcast %mul3A_621 : i32 to vector<16xi32>
      %mul3A_623 = arith.muli %rem3A_620, %mul3A_622 : vector<16xi32>
      %get3A_624 = arith.constant 96 : index
      %get3A_625 = tpu.vector_load %arg6[%get3A_624] {strides = array<i32>} : memref<192xi32, #tpu.memory_space<vmem>>, vector<16xi32>,
      %get3A_626 = vector.shape_cast %get3A_625 : vector<16xi32> to vector<16xi32>
      %add3A_627 = arith.addi %mul3A_623, %get3A_626 : vector<16xi32>
      %swap3A_628 = arith.constant 96 : index
      %swap3A_629 = tpu.vector_load %arg8[%swap3A_628] {strides = array<i32>} : memref<192xi32, #tpu.memory_space<vmem>>, vector<16xi32>,
      %swap3A_630 = vector.shape_cast %swap3A_629 : vector<16xi32> to vector<16xi32>
      %swap3A_631 = vector.shape_cast %add3A_627 : vector<16xi32> to vector<16xi32>
      tpu.vector_store %arg8[%swap3A_628], %swap3A_631 {strides = array<i32>} : memref<192xi32, #tpu.memory_space<vmem>>, vector<16xi32>,
      %add3A_632 = arith.constant 112 : i32
      %add3A_633 = arith.addi %mul3A_277, %add3A_632 : i32
      %add3A_634 = vector.broadcast %add3A_633 : i32 to vector<16xi32>
      %add3A_635 = arith.addi %add3A_634, %iota3A : vector<16xi32>
      %rem3A_636 = arith.constant 900 : i32
      %rem3A_637 = vector.broadcast %rem3A_636 : i32 to vector<16xi32>
      %rem3A_638 = arith.remsi %add3A_635, %rem3A_637 : vector<16xi32>
      %mul3A_639 = arith.constant 11 : i32
      %mul3A_640 = vector.broadcast %mul3A_639 : i32 to vector<16xi32>
      %mul3A_641 = arith.muli %rem3A_638, %mul3A_640 : vector<16xi32>
      %get3A_642 = arith.constant 112 : index
      %get3A_643 = tpu.vector_load %arg6[%get3A_642] {strides = array<i32>} : memref<192xi32, #tpu.memory_space<vmem>>, vector<16xi32>,
      %get3A_644 = vector.shape_cast %get3A_643 : vector<16xi32> to vector<16xi32>
      %add3A_645 = arith.addi %mul3A_641, %get3A_644 : vector<16xi32>
      %swap3A_646 = arith.constant 112 : index
      %swap3A_647 = tpu.vector_load %arg8[%swap3A_646] {strides = array<i32>} : memref<192xi32, #tpu.memory_space<vmem>>, vector<16xi32>,
      %swap3A_648 = vector.shape_cast %swap3A_647 : vector<16xi32> to vector<16xi32>
      %swap3A_649 = vector.shape_cast %add3A_645 : vector<16xi32> to vector<16xi32>
      tpu.vector_store %arg8[%swap3A_646], %swap3A_649 {strides = array<i32>} : memref<192xi32, #tpu.memory_space<vmem>>, vector<16xi32>,
      %add3A_650 = arith.constant 128 : i32
      %add3A_651 = arith.addi %mul3A_277, %add3A_650 : i32
      %add3A_652 = vector.broadcast %add3A_651 : i32 to vector<16xi32>
      %add3A_653 = arith.addi %add3A_652, %iota3A : vector<16xi32>
      %rem3A_654 = arith.constant 900 : i32
      %rem3A_655 = vector.broadcast %rem3A_654 : i32 to vector<16xi32>
      %rem3A_656 = arith.remsi %add3A_653, %rem3A_655 : vector<16xi32>
      %mul3A_657 = arith.constant 11 : i32
      %mul3A_658 = vector.broadcast %mul3A_657 : i32 to vector<16xi32>
      %mul3A_659 = arith.muli %rem3A_656, %mul3A_658 : vector<16xi32>
      %get3A_660 = arith.constant 128 : index
      %get3A_661 = tpu.vector_load %arg6[%get3A_660] {strides = array<i32>} : memref<192xi32, #tpu.memory_space<vmem>>, vector<16xi32>,
      %get3A_662 = vector.shape_cast %get3A_661 : vector<16xi32> to vector<16xi32>
      %add3A_663 = arith.addi %mul3A_659, %get3A_662 : vector<16xi32>
      %swap3A_664 = arith.constant 128 : index
      %swap3A_665 = tpu.vector_load %arg8[%swap3A_664] {strides = array<i32>} : memref<192xi32, #tpu.memory_space<vmem>>, vector<16xi32>,
      %swap3A_666 = vector.shape_cast %swap3A_665 : vector<16xi32> to vector<16xi32>
      %swap3A_667 = vector.shape_cast %add3A_663 : vector<16xi32> to vector<16xi32>
      tpu.vector_store %arg8[%swap3A_664], %swap3A_667 {strides = array<i32>} : memref<192xi32, #tpu.memory_space<vmem>>, vector<16xi32>,
      %add3A_668 = arith.constant 144 : i32
      %add3A_669 = arith.addi %mul3A_277, %add3A_668 : i32
      %add3A_670 = vector.broadcast %add3A_669 : i32 to vector<16xi32>
      %add3A_671 = arith.addi %add3A_670, %iota3A : vector<16xi32>
      %rem3A_672 = arith.constant 900 : i32
      %rem3A_673 = vector.broadcast %rem3A_672 : i32 to vector<16xi32>
      %rem3A_674 = arith.remsi %add3A_671, %rem3A_673 : vector<16xi32>
      %mul3A_675 = arith.constant 11 : i32
      %mul3A_676 = vector.broadcast %mul3A_675 : i32 to vector<16xi32>
      %mul3A_677 = arith.muli %rem3A_674, %mul3A_676 : vector<16xi32>
      %get3A_678 = arith.constant 144 : index
      %get3A_679 = tpu.vector_load %arg6[%get3A_678] {strides = array<i32>} : memref<192xi32, #tpu.memory_space<vmem>>, vector<16xi32>,
      %get3A_680 = vector.shape_cast %get3A_679 : vector<16xi32> to vector<16xi32>
      %add3A_681 = arith.addi %mul3A_677, %get3A_680 : vector<16xi32>
      %swap3A_682 = arith.constant 144 : index
      %swap3A_683 = tpu.vector_load %arg8[%swap3A_682] {strides = array<i32>} : memref<192xi32, #tpu.memory_space<vmem>>, vector<16xi32>,
      %swap3A_684 = vector.shape_cast %swap3A_683 : vector<16xi32> to vector<16xi32>
      %swap3A_685 = vector.shape_cast %add3A_681 : vector<16xi32> to vector<16xi32>
      tpu.vector_store %arg8[%swap3A_682], %swap3A_685 {strides = array<i32>} : memref<192xi32, #tpu.memory_space<vmem>>, vector<16xi32>,
      %add3A_686 = arith.constant 160 : i32
      %add3A_687 = arith.addi %mul3A_277, %add3A_686 : i32
      %add3A_688 = vector.broadcast %add3A_687 : i32 to vector<16xi32>
      %add3A_689 = arith.addi %add3A_688, %iota3A : vector<16xi32>
      %rem3A_690 = arith.constant 900 : i32
      %rem3A_691 = vector.broadcast %rem3A_690 : i32 to vector<16xi32>
      %rem3A_692 = arith.remsi %add3A_689, %rem3A_691 : vector<16xi32>
      %mul3A_693 = arith.constant 11 : i32
      %mul3A_694 = vector.broadcast %mul3A_693 : i32 to vector<16xi32>
      %mul3A_695 = arith.muli %rem3A_692, %mul3A_694 : vector<16xi32>
      %get3A_696 = arith.constant 160 : index
      %get3A_697 = tpu.vector_load %arg6[%get3A_696] {strides = array<i32>} : memref<192xi32, #tpu.memory_space<vmem>>, vector<16xi32>,
      %get3A_698 = vector.shape_cast %get3A_697 : vector<16xi32> to vector<16xi32>
      %add3A_699 = arith.addi %mul3A_695, %get3A_698 : vector<16xi32>
      %swap3A_700 = arith.constant 160 : index
      %swap3A_701 = tpu.vector_load %arg8[%swap3A_700] {strides = array<i32>} : memref<192xi32, #tpu.memory_space<vmem>>, vector<16xi32>,
      %swap3A_702 = vector.shape_cast %swap3A_701 : vector<16xi32> to vector<16xi32>
      %swap3A_703 = vector.shape_cast %add3A_699 : vector<16xi32> to vector<16xi32>
      tpu.vector_store %arg8[%swap3A_700], %swap3A_703 {strides = array<i32>} : memref<192xi32, #tpu.memory_space<vmem>>, vector<16xi32>,
      %add3A_704 = arith.constant 176 : i32
      %add3A_705 = arith.addi %mul3A_277, %add3A_704 : i32
      %add3A_706 = vector.broadcast %add3A_705 : i32 to vector<16xi32>
      %add3A_707 = arith.addi %add3A_706, %iota3A : vector<16xi32>
      %rem3A_708 = arith.constant 900 : i32
      %rem3A_709 = vector.broadcast %rem3A_708 : i32 to vector<16xi32>
      %rem3A_710 = arith.remsi %add3A_707, %rem3A_709 : vector<16xi32>
      %mul3A_711 = arith.constant 11 : i32
      %mul3A_712 = vector.broadcast %mul3A_711 : i32 to vector<16xi32>
      %mul3A_713 = arith.muli %rem3A_710, %mul3A_712 : vector<16xi32>
      %get3A_714 = arith.constant 176 : index
      %get3A_715 = tpu.vector_load %arg6[%get3A_714] {strides = array<i32>} : memref<192xi32, #tpu.memory_space<vmem>>, vector<16xi32>,
      %get3A_716 = vector.shape_cast %get3A_715 : vector<16xi32> to vector<16xi32>
      %add3A_717 = arith.addi %mul3A_713, %get3A_716 : vector<16xi32>
      %swap3A_718 = arith.constant 176 : index
      %swap3A_719 = tpu.vector_load %arg8[%swap3A_718] {strides = array<i32>} : memref<192xi32, #tpu.memory_space<vmem>>, vector<16xi32>,
      %swap3A_720 = vector.shape_cast %swap3A_719 : vector<16xi32> to vector<16xi32>
      %swap3A_721 = vector.shape_cast %add3A_717 : vector<16xi32> to vector<16xi32>
      tpu.vector_store %arg8[%swap3A_718], %swap3A_721 {strides = array<i32>} : memref<192xi32, #tpu.memory_space<vmem>>, vector<16xi32>,
      %gt3A_722 = arith.constant 0 : i32
      %gt3A_723 = arith.cmpi sgt, %scan3A_261, %gt3A_722 : i32
      %convert_element_type3A_724 = arith.extui %gt3A_723 : i1 to i32
      %cond3A_725 = arith.constant 0 : i32
      %cond3A_726 = arith.cmpi ne, %convert_element_type3A_724, %cond3A_725 : i32
      scf.if %cond3A_726 {
        %dma_wait3A_759 = arith.constant 0 : i32
        %dma_wait3A_760 = arith.constant 0 : i32
        %dma_wait3A_761 = tpu.memref_slice %arg4[%dma_wait3A_759, %dma_wait3A_760] : memref<460800x128xf32, #tpu.memory_space<hbm>> -> memref<192x128xf32, #tpu.memory_space<hbm>>
        %dma_wait3A_762 = arith.constant 0 : i32
        %dma_wait3A_763 = arith.constant 0 : i32
        %dma_wait3A_764 = tpu.memref_slice %arg4[%dma_wait3A_762, %dma_wait3A_763] : memref<460800x128xf32, #tpu.memory_space<hbm>> -> memref<192x128xf32, #tpu.memory_space<hbm>>
        tpu.wait_dma2 semaphore(%arg14 : memref<!tpu.dma_semaphore, #tpu.memory_space<semaphore_mem>>) src(%arg10 : memref<192x128xf32, #tpu.memory_space<vmem>>) dst(%dma_wait3A_764 : memref<192x128xf32, #tpu.memory_space<hbm>>)
      } else {
      }
      %dma_start3A_727 = arith.constant 0 : i32
      %dma_start3A_728 = arith.constant 0 : i32
      %dma_start3A_729 = tpu.memref_slice %arg10[%dma_start3A_727, %dma_start3A_728] : memref<192x128xf32, #tpu.memory_space<vmem>> -> memref<192x128xf32, #tpu.memory_space<vmem>>
      %dma_start3A_730 = arith.constant 0 : i32
      %dma_start3A_731 = tpu.memref_slice %arg8[%dma_start3A_730] : memref<192xi32, #tpu.memory_space<vmem>> -> memref<192xi32, #tpu.memory_space<vmem>>
      %dma_start3A_732 = arith.constant 0 : i32
      %dma_start3A_733 = arith.constant 0 : i32
      %dma_start3A_734 = tpu.memref_slice %arg15[%dma_start3A_732, %dma_start3A_733] : memref<9900x128xf32, #tpu.memory_space<vmem_shared>> -> memref<9900x128xf32, #tpu.memory_space<vmem_shared>>
      tpu.enqueue_indirect_dma source(%dma_start3A_734 : memref<9900x128xf32, #tpu.memory_space<vmem_shared>>) target(%dma_start3A_729 : memref<192x128xf32, #tpu.memory_space<vmem>>) offsets(%dma_start3A_731 : memref<192xi32, #tpu.memory_space<vmem>>) semaphore(%arg12 : memref<!tpu.dma_semaphore, #tpu.memory_space<semaphore_mem>>)
      %dma_wait3A_735 = arith.constant 0 : i32
      %dma_wait3A_736 = arith.constant 0 : i32
      %dma_wait3A_737 = tpu.memref_slice %arg9[%dma_wait3A_735, %dma_wait3A_736] : memref<192x128xf32, #tpu.memory_space<vmem>> -> memref<192x128xf32, #tpu.memory_space<vmem>>
      %dma_wait3A_738 = arith.constant 0 : i32
      %dma_wait3A_739 = tpu.memref_slice %arg7[%dma_wait3A_738] : memref<192xi32, #tpu.memory_space<vmem>> -> memref<192xi32, #tpu.memory_space<vmem>>
      %dma_wait3A_740 = arith.constant 0 : i32
      %dma_wait3A_741 = arith.constant 0 : i32
      %dma_wait3A_742 = tpu.memref_slice %arg15[%dma_wait3A_740, %dma_wait3A_741] : memref<9900x128xf32, #tpu.memory_space<vmem_shared>> -> memref<9900x128xf32, #tpu.memory_space<vmem_shared>>
      tpu.wait_indirect_dma semaphore(%arg11 : memref<!tpu.dma_semaphore, #tpu.memory_space<semaphore_mem>>) src(%dma_wait3A_742 : memref<9900x128xf32, #tpu.memory_space<vmem_shared>>) dst(%dma_wait3A_737 : memref<192x128xf32, #tpu.memory_space<vmem>>)
      %dma_start3A_743 = arith.constant 0 : i32
      %dma_start3A_744 = tpu.memref_slice %arg4[%mul3A_268, %dma_start3A_743] : memref<460800x128xf32, #tpu.memory_space<hbm>> -> memref<192x128xf32, #tpu.memory_space<hbm>>
      %dma_start3A_745 = arith.constant 0 : i32
      %dma_start3A_746 = tpu.memref_slice %arg4[%mul3A_268, %dma_start3A_745] : memref<460800x128xf32, #tpu.memory_space<hbm>> -> memref<192x128xf32, #tpu.memory_space<hbm>>
      tpu.enqueue_dma source(%arg9 : memref<192x128xf32, #tpu.memory_space<vmem>>) target(%dma_start3A_746 : memref<192x128xf32, #tpu.memory_space<hbm>>) target_semaphore(%arg13 : memref<!tpu.dma_semaphore, #tpu.memory_space<semaphore_mem>>)
      %dma_wait3A_747 = arith.constant 0 : i32
      %dma_wait3A_748 = arith.constant 0 : i32
      %dma_wait3A_749 = tpu.memref_slice %arg10[%dma_wait3A_747, %dma_wait3A_748] : memref<192x128xf32, #tpu.memory_space<vmem>> -> memref<192x128xf32, #tpu.memory_space<vmem>>
      %dma_wait3A_750 = arith.constant 0 : i32
      %dma_wait3A_751 = tpu.memref_slice %arg8[%dma_wait3A_750] : memref<192xi32, #tpu.memory_space<vmem>> -> memref<192xi32, #tpu.memory_space<vmem>>
      %dma_wait3A_752 = arith.constant 0 : i32
      %dma_wait3A_753 = arith.constant 0 : i32
      %dma_wait3A_754 = tpu.memref_slice %arg15[%dma_wait3A_752, %dma_wait3A_753] : memref<9900x128xf32, #tpu.memory_space<vmem_shared>> -> memref<9900x128xf32, #tpu.memory_space<vmem_shared>>
      tpu.wait_indirect_dma semaphore(%arg12 : memref<!tpu.dma_semaphore, #tpu.memory_space<semaphore_mem>>) src(%dma_wait3A_754 : memref<9900x128xf32, #tpu.memory_space<vmem_shared>>) dst(%dma_wait3A_749 : memref<192x128xf32, #tpu.memory_space<vmem>>)
      %dma_start3A_755 = arith.constant 0 : i32
      %dma_start3A_756 = tpu.memref_slice %arg4[%mul3A_277, %dma_start3A_755] : memref<460800x128xf32, #tpu.memory_space<hbm>> -> memref<192x128xf32, #tpu.memory_space<hbm>>
      %dma_start3A_757 = arith.constant 0 : i32
      %dma_start3A_758 = tpu.memref_slice %arg4[%mul3A_277, %dma_start3A_757] : memref<460800x128xf32, #tpu.memory_space<hbm>> -> memref<192x128xf32, #tpu.memory_space<hbm>>
      tpu.enqueue_dma source(%arg10 : memref<192x128xf32, #tpu.memory_space<vmem>>) target(%dma_start3A_758 : memref<192x128xf32, #tpu.memory_space<hbm>>) target_semaphore(%arg14 : memref<!tpu.dma_semaphore, #tpu.memory_space<semaphore_mem>>)
    }
    %scan3A_7 = arith.constant 37 : i32
    %add3A_8 = arith.constant 2368 : i32
    %add3A_9 = arith.addi %add3A_8, %add3A : i32
    %mul3A_10 = arith.constant 192 : i32
    %mul3A_11 = arith.muli %add3A_9, %mul3A_10 : i32
    "tpu.region"() ({
      %run_scoped3A = tpu.sem_alloc : memref<!tpu.dma_semaphore, #tpu.memory_space<semaphore_mem>>
      %dma_start3A_261 = tpu.memref_slice %arg2[%mul3A_11] : memref<460800xi32, #tpu.memory_space<hbm>> -> memref<192xi32, #tpu.memory_space<hbm>>
      %dma_start3A_262 = tpu.memref_slice %arg2[%mul3A_11] : memref<460800xi32, #tpu.memory_space<hbm>> -> memref<192xi32, #tpu.memory_space<hbm>>
      tpu.enqueue_dma source(%dma_start3A_262 : memref<192xi32, #tpu.memory_space<hbm>>) target(%arg5 : memref<192xi32, #tpu.memory_space<vmem>>) target_semaphore(%run_scoped3A : memref<!tpu.dma_semaphore, #tpu.memory_space<semaphore_mem>>)
      %dma_wait3A_263 = tpu.memref_slice %arg2[%mul3A_11] : memref<460800xi32, #tpu.memory_space<hbm>> -> memref<192xi32, #tpu.memory_space<hbm>>
      %dma_wait3A_264 = tpu.memref_slice %arg2[%mul3A_11] : memref<460800xi32, #tpu.memory_space<hbm>> -> memref<192xi32, #tpu.memory_space<hbm>>
      tpu.wait_dma2 semaphore(%run_scoped3A : memref<!tpu.dma_semaphore, #tpu.memory_space<semaphore_mem>>) src(%dma_wait3A_264 : memref<192xi32, #tpu.memory_space<hbm>>) dst(%arg5 : memref<192xi32, #tpu.memory_space<vmem>>)
      tpu.yield
    }) : () -> ()
    %add3A_12 = arith.constant 0 : i32
    %add3A_13 = arith.addi %mul3A_11, %add3A_12 : i32
    %add3A_14 = vector.broadcast %add3A_13 : i32 to vector<16xi32>
    %add3A_15 = arith.addi %add3A_14, %iota3A : vector<16xi32>
    %rem3A = arith.constant 900 : i32
    %rem3A_16 = vector.broadcast %rem3A : i32 to vector<16xi32>
    %rem3A_17 = arith.remsi %add3A_15, %rem3A_16 : vector<16xi32>
    %mul3A_18 = arith.constant 11 : i32
    %mul3A_19 = vector.broadcast %mul3A_18 : i32 to vector<16xi32>
    %mul3A_20 = arith.muli %rem3A_17, %mul3A_19 : vector<16xi32>
    %get3A = arith.constant 0 : index
    %get3A_21 = tpu.vector_load %arg5[%get3A] {strides = array<i32>} : memref<192xi32, #tpu.memory_space<vmem>>, vector<16xi32>,
    %get3A_22 = vector.shape_cast %get3A_21 : vector<16xi32> to vector<16xi32>
    %add3A_23 = arith.addi %mul3A_20, %get3A_22 : vector<16xi32>
    %swap3A = arith.constant 0 : index
    %swap3A_24 = tpu.vector_load %arg7[%swap3A] {strides = array<i32>} : memref<192xi32, #tpu.memory_space<vmem>>, vector<16xi32>,
    %swap3A_25 = vector.shape_cast %swap3A_24 : vector<16xi32> to vector<16xi32>
    %swap3A_26 = vector.shape_cast %add3A_23 : vector<16xi32> to vector<16xi32>
    tpu.vector_store %arg7[%swap3A], %swap3A_26 {strides = array<i32>} : memref<192xi32, #tpu.memory_space<vmem>>, vector<16xi32>,
    %add3A_27 = arith.constant 16 : i32
    %add3A_28 = arith.addi %mul3A_11, %add3A_27 : i32
    %add3A_29 = vector.broadcast %add3A_28 : i32 to vector<16xi32>
    %add3A_30 = arith.addi %add3A_29, %iota3A : vector<16xi32>
    %rem3A_31 = arith.constant 900 : i32
    %rem3A_32 = vector.broadcast %rem3A_31 : i32 to vector<16xi32>
    %rem3A_33 = arith.remsi %add3A_30, %rem3A_32 : vector<16xi32>
    %mul3A_34 = arith.constant 11 : i32
    %mul3A_35 = vector.broadcast %mul3A_34 : i32 to vector<16xi32>
    %mul3A_36 = arith.muli %rem3A_33, %mul3A_35 : vector<16xi32>
    %get3A_37 = arith.constant 16 : index
    %get3A_38 = tpu.vector_load %arg5[%get3A_37] {strides = array<i32>} : memref<192xi32, #tpu.memory_space<vmem>>, vector<16xi32>,
    %get3A_39 = vector.shape_cast %get3A_38 : vector<16xi32> to vector<16xi32>
    %add3A_40 = arith.addi %mul3A_36, %get3A_39 : vector<16xi32>
    %swap3A_41 = arith.constant 16 : index
    %swap3A_42 = tpu.vector_load %arg7[%swap3A_41] {strides = array<i32>} : memref<192xi32, #tpu.memory_space<vmem>>, vector<16xi32>,
    %swap3A_43 = vector.shape_cast %swap3A_42 : vector<16xi32> to vector<16xi32>
    %swap3A_44 = vector.shape_cast %add3A_40 : vector<16xi32> to vector<16xi32>
    tpu.vector_store %arg7[%swap3A_41], %swap3A_44 {strides = array<i32>} : memref<192xi32, #tpu.memory_space<vmem>>, vector<16xi32>,
    %add3A_45 = arith.constant 32 : i32
    %add3A_46 = arith.addi %mul3A_11, %add3A_45 : i32
    %add3A_47 = vector.broadcast %add3A_46 : i32 to vector<16xi32>
    %add3A_48 = arith.addi %add3A_47, %iota3A : vector<16xi32>
    %rem3A_49 = arith.constant 900 : i32
    %rem3A_50 = vector.broadcast %rem3A_49 : i32 to vector<16xi32>
    %rem3A_51 = arith.remsi %add3A_48, %rem3A_50 : vector<16xi32>
    %mul3A_52 = arith.constant 11 : i32
    %mul3A_53 = vector.broadcast %mul3A_52 : i32 to vector<16xi32>
    %mul3A_54 = arith.muli %rem3A_51, %mul3A_53 : vector<16xi32>
    %get3A_55 = arith.constant 32 : index
    %get3A_56 = tpu.vector_load %arg5[%get3A_55] {strides = array<i32>} : memref<192xi32, #tpu.memory_space<vmem>>, vector<16xi32>,
    %get3A_57 = vector.shape_cast %get3A_56 : vector<16xi32> to vector<16xi32>
    %add3A_58 = arith.addi %mul3A_54, %get3A_57 : vector<16xi32>
    %swap3A_59 = arith.constant 32 : index
    %swap3A_60 = tpu.vector_load %arg7[%swap3A_59] {strides = array<i32>} : memref<192xi32, #tpu.memory_space<vmem>>, vector<16xi32>,
    %swap3A_61 = vector.shape_cast %swap3A_60 : vector<16xi32> to vector<16xi32>
    %swap3A_62 = vector.shape_cast %add3A_58 : vector<16xi32> to vector<16xi32>
    tpu.vector_store %arg7[%swap3A_59], %swap3A_62 {strides = array<i32>} : memref<192xi32, #tpu.memory_space<vmem>>, vector<16xi32>,
    %add3A_63 = arith.constant 48 : i32
    %add3A_64 = arith.addi %mul3A_11, %add3A_63 : i32
    %add3A_65 = vector.broadcast %add3A_64 : i32 to vector<16xi32>
    %add3A_66 = arith.addi %add3A_65, %iota3A : vector<16xi32>
    %rem3A_67 = arith.constant 900 : i32
    %rem3A_68 = vector.broadcast %rem3A_67 : i32 to vector<16xi32>
    %rem3A_69 = arith.remsi %add3A_66, %rem3A_68 : vector<16xi32>
    %mul3A_70 = arith.constant 11 : i32
    %mul3A_71 = vector.broadcast %mul3A_70 : i32 to vector<16xi32>
    %mul3A_72 = arith.muli %rem3A_69, %mul3A_71 : vector<16xi32>
    %get3A_73 = arith.constant 48 : index
    %get3A_74 = tpu.vector_load %arg5[%get3A_73] {strides = array<i32>} : memref<192xi32, #tpu.memory_space<vmem>>, vector<16xi32>,
    %get3A_75 = vector.shape_cast %get3A_74 : vector<16xi32> to vector<16xi32>
    %add3A_76 = arith.addi %mul3A_72, %get3A_75 : vector<16xi32>
    %swap3A_77 = arith.constant 48 : index
    %swap3A_78 = tpu.vector_load %arg7[%swap3A_77] {strides = array<i32>} : memref<192xi32, #tpu.memory_space<vmem>>, vector<16xi32>,
    %swap3A_79 = vector.shape_cast %swap3A_78 : vector<16xi32> to vector<16xi32>
    %swap3A_80 = vector.shape_cast %add3A_76 : vector<16xi32> to vector<16xi32>
    tpu.vector_store %arg7[%swap3A_77], %swap3A_80 {strides = array<i32>} : memref<192xi32, #tpu.memory_space<vmem>>, vector<16xi32>,
    %add3A_81 = arith.constant 64 : i32
    %add3A_82 = arith.addi %mul3A_11, %add3A_81 : i32
    %add3A_83 = vector.broadcast %add3A_82 : i32 to vector<16xi32>
    %add3A_84 = arith.addi %add3A_83, %iota3A : vector<16xi32>
    %rem3A_85 = arith.constant 900 : i32
    %rem3A_86 = vector.broadcast %rem3A_85 : i32 to vector<16xi32>
    %rem3A_87 = arith.remsi %add3A_84, %rem3A_86 : vector<16xi32>
    %mul3A_88 = arith.constant 11 : i32
    %mul3A_89 = vector.broadcast %mul3A_88 : i32 to vector<16xi32>
    %mul3A_90 = arith.muli %rem3A_87, %mul3A_89 : vector<16xi32>
    %get3A_91 = arith.constant 64 : index
    %get3A_92 = tpu.vector_load %arg5[%get3A_91] {strides = array<i32>} : memref<192xi32, #tpu.memory_space<vmem>>, vector<16xi32>,
    %get3A_93 = vector.shape_cast %get3A_92 : vector<16xi32> to vector<16xi32>
    %add3A_94 = arith.addi %mul3A_90, %get3A_93 : vector<16xi32>
    %swap3A_95 = arith.constant 64 : index
    %swap3A_96 = tpu.vector_load %arg7[%swap3A_95] {strides = array<i32>} : memref<192xi32, #tpu.memory_space<vmem>>, vector<16xi32>,
    %swap3A_97 = vector.shape_cast %swap3A_96 : vector<16xi32> to vector<16xi32>
    %swap3A_98 = vector.shape_cast %add3A_94 : vector<16xi32> to vector<16xi32>
    tpu.vector_store %arg7[%swap3A_95], %swap3A_98 {strides = array<i32>} : memref<192xi32, #tpu.memory_space<vmem>>, vector<16xi32>,
    %add3A_99 = arith.constant 80 : i32
    %add3A_100 = arith.addi %mul3A_11, %add3A_99 : i32
    %add3A_101 = vector.broadcast %add3A_100 : i32 to vector<16xi32>
    %add3A_102 = arith.addi %add3A_101, %iota3A : vector<16xi32>
    %rem3A_103 = arith.constant 900 : i32
    %rem3A_104 = vector.broadcast %rem3A_103 : i32 to vector<16xi32>
    %rem3A_105 = arith.remsi %add3A_102, %rem3A_104 : vector<16xi32>
    %mul3A_106 = arith.constant 11 : i32
    %mul3A_107 = vector.broadcast %mul3A_106 : i32 to vector<16xi32>
    %mul3A_108 = arith.muli %rem3A_105, %mul3A_107 : vector<16xi32>
    %get3A_109 = arith.constant 80 : index
    %get3A_110 = tpu.vector_load %arg5[%get3A_109] {strides = array<i32>} : memref<192xi32, #tpu.memory_space<vmem>>, vector<16xi32>,
    %get3A_111 = vector.shape_cast %get3A_110 : vector<16xi32> to vector<16xi32>
    %add3A_112 = arith.addi %mul3A_108, %get3A_111 : vector<16xi32>
    %swap3A_113 = arith.constant 80 : index
    %swap3A_114 = tpu.vector_load %arg7[%swap3A_113] {strides = array<i32>} : memref<192xi32, #tpu.memory_space<vmem>>, vector<16xi32>,
    %swap3A_115 = vector.shape_cast %swap3A_114 : vector<16xi32> to vector<16xi32>
    %swap3A_116 = vector.shape_cast %add3A_112 : vector<16xi32> to vector<16xi32>
    tpu.vector_store %arg7[%swap3A_113], %swap3A_116 {strides = array<i32>} : memref<192xi32, #tpu.memory_space<vmem>>, vector<16xi32>,
    %add3A_117 = arith.constant 96 : i32
    %add3A_118 = arith.addi %mul3A_11, %add3A_117 : i32
    %add3A_119 = vector.broadcast %add3A_118 : i32 to vector<16xi32>
    %add3A_120 = arith.addi %add3A_119, %iota3A : vector<16xi32>
    %rem3A_121 = arith.constant 900 : i32
    %rem3A_122 = vector.broadcast %rem3A_121 : i32 to vector<16xi32>
    %rem3A_123 = arith.remsi %add3A_120, %rem3A_122 : vector<16xi32>
    %mul3A_124 = arith.constant 11 : i32
    %mul3A_125 = vector.broadcast %mul3A_124 : i32 to vector<16xi32>
    %mul3A_126 = arith.muli %rem3A_123, %mul3A_125 : vector<16xi32>
    %get3A_127 = arith.constant 96 : index
    %get3A_128 = tpu.vector_load %arg5[%get3A_127] {strides = array<i32>} : memref<192xi32, #tpu.memory_space<vmem>>, vector<16xi32>,
    %get3A_129 = vector.shape_cast %get3A_128 : vector<16xi32> to vector<16xi32>
    %add3A_130 = arith.addi %mul3A_126, %get3A_129 : vector<16xi32>
    %swap3A_131 = arith.constant 96 : index
    %swap3A_132 = tpu.vector_load %arg7[%swap3A_131] {strides = array<i32>} : memref<192xi32, #tpu.memory_space<vmem>>, vector<16xi32>,
    %swap3A_133 = vector.shape_cast %swap3A_132 : vector<16xi32> to vector<16xi32>
    %swap3A_134 = vector.shape_cast %add3A_130 : vector<16xi32> to vector<16xi32>
    tpu.vector_store %arg7[%swap3A_131], %swap3A_134 {strides = array<i32>} : memref<192xi32, #tpu.memory_space<vmem>>, vector<16xi32>,
    %add3A_135 = arith.constant 112 : i32
    %add3A_136 = arith.addi %mul3A_11, %add3A_135 : i32
    %add3A_137 = vector.broadcast %add3A_136 : i32 to vector<16xi32>
    %add3A_138 = arith.addi %add3A_137, %iota3A : vector<16xi32>
    %rem3A_139 = arith.constant 900 : i32
    %rem3A_140 = vector.broadcast %rem3A_139 : i32 to vector<16xi32>
    %rem3A_141 = arith.remsi %add3A_138, %rem3A_140 : vector<16xi32>
    %mul3A_142 = arith.constant 11 : i32
    %mul3A_143 = vector.broadcast %mul3A_142 : i32 to vector<16xi32>
    %mul3A_144 = arith.muli %rem3A_141, %mul3A_143 : vector<16xi32>
    %get3A_145 = arith.constant 112 : index
    %get3A_146 = tpu.vector_load %arg5[%get3A_145] {strides = array<i32>} : memref<192xi32, #tpu.memory_space<vmem>>, vector<16xi32>,
    %get3A_147 = vector.shape_cast %get3A_146 : vector<16xi32> to vector<16xi32>
    %add3A_148 = arith.addi %mul3A_144, %get3A_147 : vector<16xi32>
    %swap3A_149 = arith.constant 112 : index
    %swap3A_150 = tpu.vector_load %arg7[%swap3A_149] {strides = array<i32>} : memref<192xi32, #tpu.memory_space<vmem>>, vector<16xi32>,
    %swap3A_151 = vector.shape_cast %swap3A_150 : vector<16xi32> to vector<16xi32>
    %swap3A_152 = vector.shape_cast %add3A_148 : vector<16xi32> to vector<16xi32>
    tpu.vector_store %arg7[%swap3A_149], %swap3A_152 {strides = array<i32>} : memref<192xi32, #tpu.memory_space<vmem>>, vector<16xi32>,
    %add3A_153 = arith.constant 128 : i32
    %add3A_154 = arith.addi %mul3A_11, %add3A_153 : i32
    %add3A_155 = vector.broadcast %add3A_154 : i32 to vector<16xi32>
    %add3A_156 = arith.addi %add3A_155, %iota3A : vector<16xi32>
    %rem3A_157 = arith.constant 900 : i32
    %rem3A_158 = vector.broadcast %rem3A_157 : i32 to vector<16xi32>
    %rem3A_159 = arith.remsi %add3A_156, %rem3A_158 : vector<16xi32>
    %mul3A_160 = arith.constant 11 : i32
    %mul3A_161 = vector.broadcast %mul3A_160 : i32 to vector<16xi32>
    %mul3A_162 = arith.muli %rem3A_159, %mul3A_161 : vector<16xi32>
    %get3A_163 = arith.constant 128 : index
    %get3A_164 = tpu.vector_load %arg5[%get3A_163] {strides = array<i32>} : memref<192xi32, #tpu.memory_space<vmem>>, vector<16xi32>,
    %get3A_165 = vector.shape_cast %get3A_164 : vector<16xi32> to vector<16xi32>
    %add3A_166 = arith.addi %mul3A_162, %get3A_165 : vector<16xi32>
    %swap3A_167 = arith.constant 128 : index
    %swap3A_168 = tpu.vector_load %arg7[%swap3A_167] {strides = array<i32>} : memref<192xi32, #tpu.memory_space<vmem>>, vector<16xi32>,
    %swap3A_169 = vector.shape_cast %swap3A_168 : vector<16xi32> to vector<16xi32>
    %swap3A_170 = vector.shape_cast %add3A_166 : vector<16xi32> to vector<16xi32>
    tpu.vector_store %arg7[%swap3A_167], %swap3A_170 {strides = array<i32>} : memref<192xi32, #tpu.memory_space<vmem>>, vector<16xi32>,
    %add3A_171 = arith.constant 144 : i32
    %add3A_172 = arith.addi %mul3A_11, %add3A_171 : i32
    %add3A_173 = vector.broadcast %add3A_172 : i32 to vector<16xi32>
    %add3A_174 = arith.addi %add3A_173, %iota3A : vector<16xi32>
    %rem3A_175 = arith.constant 900 : i32
    %rem3A_176 = vector.broadcast %rem3A_175 : i32 to vector<16xi32>
    %rem3A_177 = arith.remsi %add3A_174, %rem3A_176 : vector<16xi32>
    %mul3A_178 = arith.constant 11 : i32
    %mul3A_179 = vector.broadcast %mul3A_178 : i32 to vector<16xi32>
    %mul3A_180 = arith.muli %rem3A_177, %mul3A_179 : vector<16xi32>
    %get3A_181 = arith.constant 144 : index
    %get3A_182 = tpu.vector_load %arg5[%get3A_181] {strides = array<i32>} : memref<192xi32, #tpu.memory_space<vmem>>, vector<16xi32>,
    %get3A_183 = vector.shape_cast %get3A_182 : vector<16xi32> to vector<16xi32>
    %add3A_184 = arith.addi %mul3A_180, %get3A_183 : vector<16xi32>
    %swap3A_185 = arith.constant 144 : index
    %swap3A_186 = tpu.vector_load %arg7[%swap3A_185] {strides = array<i32>} : memref<192xi32, #tpu.memory_space<vmem>>, vector<16xi32>,
    %swap3A_187 = vector.shape_cast %swap3A_186 : vector<16xi32> to vector<16xi32>
    %swap3A_188 = vector.shape_cast %add3A_184 : vector<16xi32> to vector<16xi32>
    tpu.vector_store %arg7[%swap3A_185], %swap3A_188 {strides = array<i32>} : memref<192xi32, #tpu.memory_space<vmem>>, vector<16xi32>,
    %add3A_189 = arith.constant 160 : i32
    %add3A_190 = arith.addi %mul3A_11, %add3A_189 : i32
    %add3A_191 = vector.broadcast %add3A_190 : i32 to vector<16xi32>
    %add3A_192 = arith.addi %add3A_191, %iota3A : vector<16xi32>
    %rem3A_193 = arith.constant 900 : i32
    %rem3A_194 = vector.broadcast %rem3A_193 : i32 to vector<16xi32>
    %rem3A_195 = arith.remsi %add3A_192, %rem3A_194 : vector<16xi32>
    %mul3A_196 = arith.constant 11 : i32
    %mul3A_197 = vector.broadcast %mul3A_196 : i32 to vector<16xi32>
    %mul3A_198 = arith.muli %rem3A_195, %mul3A_197 : vector<16xi32>
    %get3A_199 = arith.constant 160 : index
    %get3A_200 = tpu.vector_load %arg5[%get3A_199] {strides = array<i32>} : memref<192xi32, #tpu.memory_space<vmem>>, vector<16xi32>,
    %get3A_201 = vector.shape_cast %get3A_200 : vector<16xi32> to vector<16xi32>
    %add3A_202 = arith.addi %mul3A_198, %get3A_201 : vector<16xi32>
    %swap3A_203 = arith.constant 160 : index
    %swap3A_204 = tpu.vector_load %arg7[%swap3A_203] {strides = array<i32>} : memref<192xi32, #tpu.memory_space<vmem>>, vector<16xi32>,
    %swap3A_205 = vector.shape_cast %swap3A_204 : vector<16xi32> to vector<16xi32>
    %swap3A_206 = vector.shape_cast %add3A_202 : vector<16xi32> to vector<16xi32>
    tpu.vector_store %arg7[%swap3A_203], %swap3A_206 {strides = array<i32>} : memref<192xi32, #tpu.memory_space<vmem>>, vector<16xi32>,
    %add3A_207 = arith.constant 176 : i32
    %add3A_208 = arith.addi %mul3A_11, %add3A_207 : i32
    %add3A_209 = vector.broadcast %add3A_208 : i32 to vector<16xi32>
    %add3A_210 = arith.addi %add3A_209, %iota3A : vector<16xi32>
    %rem3A_211 = arith.constant 900 : i32
    %rem3A_212 = vector.broadcast %rem3A_211 : i32 to vector<16xi32>
    %rem3A_213 = arith.remsi %add3A_210, %rem3A_212 : vector<16xi32>
    %mul3A_214 = arith.constant 11 : i32
    %mul3A_215 = vector.broadcast %mul3A_214 : i32 to vector<16xi32>
    %mul3A_216 = arith.muli %rem3A_213, %mul3A_215 : vector<16xi32>
    %get3A_217 = arith.constant 176 : index
    %get3A_218 = tpu.vector_load %arg5[%get3A_217] {strides = array<i32>} : memref<192xi32, #tpu.memory_space<vmem>>, vector<16xi32>,
    %get3A_219 = vector.shape_cast %get3A_218 : vector<16xi32> to vector<16xi32>
    %add3A_220 = arith.addi %mul3A_216, %get3A_219 : vector<16xi32>
    %swap3A_221 = arith.constant 176 : index
    %swap3A_222 = tpu.vector_load %arg7[%swap3A_221] {strides = array<i32>} : memref<192xi32, #tpu.memory_space<vmem>>, vector<16xi32>,
    %swap3A_223 = vector.shape_cast %swap3A_222 : vector<16xi32> to vector<16xi32>
    %swap3A_224 = vector.shape_cast %add3A_220 : vector<16xi32> to vector<16xi32>
    tpu.vector_store %arg7[%swap3A_221], %swap3A_224 {strides = array<i32>} : memref<192xi32, #tpu.memory_space<vmem>>, vector<16xi32>,
    %dma_wait3A = arith.constant 0 : i32
    %dma_wait3A_225 = arith.constant 0 : i32
    %dma_wait3A_226 = tpu.memref_slice %arg4[%dma_wait3A, %dma_wait3A_225] : memref<460800x128xf32, #tpu.memory_space<hbm>> -> memref<192x128xf32, #tpu.memory_space<hbm>>
    %dma_wait3A_227 = arith.constant 0 : i32
    %dma_wait3A_228 = arith.constant 0 : i32
    %dma_wait3A_229 = tpu.memref_slice %arg4[%dma_wait3A_227, %dma_wait3A_228] : memref<460800x128xf32, #tpu.memory_space<hbm>> -> memref<192x128xf32, #tpu.memory_space<hbm>>
    tpu.wait_dma2 semaphore(%arg13 : memref<!tpu.dma_semaphore, #tpu.memory_space<semaphore_mem>>) src(%arg9 : memref<192x128xf32, #tpu.memory_space<vmem>>) dst(%dma_wait3A_229 : memref<192x128xf32, #tpu.memory_space<hbm>>)
    %dma_start3A = arith.constant 0 : i32
    %dma_start3A_230 = arith.constant 0 : i32
    %dma_start3A_231 = tpu.memref_slice %arg9[%dma_start3A, %dma_start3A_230] : memref<192x128xf32, #tpu.memory_space<vmem>> -> memref<192x128xf32, #tpu.memory_space<vmem>>
    %dma_start3A_232 = arith.constant 0 : i32
    %dma_start3A_233 = tpu.memref_slice %arg7[%dma_start3A_232] : memref<192xi32, #tpu.memory_space<vmem>> -> memref<192xi32, #tpu.memory_space<vmem>>
    %dma_start3A_234 = arith.constant 0 : i32
    %dma_start3A_235 = arith.constant 0 : i32
    %dma_start3A_236 = tpu.memref_slice %arg15[%dma_start3A_234, %dma_start3A_235] : memref<9900x128xf32, #tpu.memory_space<vmem_shared>> -> memref<9900x128xf32, #tpu.memory_space<vmem_shared>>
    tpu.enqueue_indirect_dma source(%dma_start3A_236 : memref<9900x128xf32, #tpu.memory_space<vmem_shared>>) target(%dma_start3A_231 : memref<192x128xf32, #tpu.memory_space<vmem>>) offsets(%dma_start3A_233 : memref<192xi32, #tpu.memory_space<vmem>>) semaphore(%arg11 : memref<!tpu.dma_semaphore, #tpu.memory_space<semaphore_mem>>)
    %dma_wait3A_237 = arith.constant 0 : i32
    %dma_wait3A_238 = arith.constant 0 : i32
    %dma_wait3A_239 = tpu.memref_slice %arg9[%dma_wait3A_237, %dma_wait3A_238] : memref<192x128xf32, #tpu.memory_space<vmem>> -> memref<192x128xf32, #tpu.memory_space<vmem>>
    %dma_wait3A_240 = arith.constant 0 : i32
    %dma_wait3A_241 = tpu.memref_slice %arg7[%dma_wait3A_240] : memref<192xi32, #tpu.memory_space<vmem>> -> memref<192xi32, #tpu.memory_space<vmem>>
    %dma_wait3A_242 = arith.constant 0 : i32
    %dma_wait3A_243 = arith.constant 0 : i32
    %dma_wait3A_244 = tpu.memref_slice %arg15[%dma_wait3A_242, %dma_wait3A_243] : memref<9900x128xf32, #tpu.memory_space<vmem_shared>> -> memref<9900x128xf32, #tpu.memory_space<vmem_shared>>
    tpu.wait_indirect_dma semaphore(%arg11 : memref<!tpu.dma_semaphore, #tpu.memory_space<semaphore_mem>>) src(%dma_wait3A_244 : memref<9900x128xf32, #tpu.memory_space<vmem_shared>>) dst(%dma_wait3A_239 : memref<192x128xf32, #tpu.memory_space<vmem>>)
    %dma_start3A_245 = arith.constant 0 : i32
    %dma_start3A_246 = tpu.memref_slice %arg4[%mul3A_11, %dma_start3A_245] : memref<460800x128xf32, #tpu.memory_space<hbm>> -> memref<192x128xf32, #tpu.memory_space<hbm>>
    %dma_start3A_247 = arith.constant 0 : i32
    %dma_start3A_248 = tpu.memref_slice %arg4[%mul3A_11, %dma_start3A_247] : memref<460800x128xf32, #tpu.memory_space<hbm>> -> memref<192x128xf32, #tpu.memory_space<hbm>>
    tpu.enqueue_dma source(%arg9 : memref<192x128xf32, #tpu.memory_space<vmem>>) target(%dma_start3A_248 : memref<192x128xf32, #tpu.memory_space<hbm>>) target_semaphore(%arg13 : memref<!tpu.dma_semaphore, #tpu.memory_space<semaphore_mem>>)
    %dma_wait3A_249 = arith.constant 0 : i32
    %dma_wait3A_250 = arith.constant 0 : i32
    %dma_wait3A_251 = tpu.memref_slice %arg4[%dma_wait3A_249, %dma_wait3A_250] : memref<460800x128xf32, #tpu.memory_space<hbm>> -> memref<192x128xf32, #tpu.memory_space<hbm>>
    %dma_wait3A_252 = arith.constant 0 : i32
    %dma_wait3A_253 = arith.constant 0 : i32
    %dma_wait3A_254 = tpu.memref_slice %arg4[%dma_wait3A_252, %dma_wait3A_253] : memref<460800x128xf32, #tpu.memory_space<hbm>> -> memref<192x128xf32, #tpu.memory_space<hbm>>
    tpu.wait_dma2 semaphore(%arg13 : memref<!tpu.dma_semaphore, #tpu.memory_space<semaphore_mem>>) src(%arg9 : memref<192x128xf32, #tpu.memory_space<vmem>>) dst(%dma_wait3A_254 : memref<192x128xf32, #tpu.memory_space<hbm>>)
    %dma_wait3A_255 = arith.constant 0 : i32
    %dma_wait3A_256 = arith.constant 0 : i32
    %dma_wait3A_257 = tpu.memref_slice %arg4[%dma_wait3A_255, %dma_wait3A_256] : memref<460800x128xf32, #tpu.memory_space<hbm>> -> memref<192x128xf32, #tpu.memory_space<hbm>>
    %dma_wait3A_258 = arith.constant 0 : i32
    %dma_wait3A_259 = arith.constant 0 : i32
    %dma_wait3A_260 = tpu.memref_slice %arg4[%dma_wait3A_258, %dma_wait3A_259] : memref<460800x128xf32, #tpu.memory_space<hbm>> -> memref<192x128xf32, #tpu.memory_space<hbm>>
    tpu.wait_dma2 semaphore(%arg14 : memref<!tpu.dma_semaphore, #tpu.memory_space<semaphore_mem>>) src(%arg10 : memref<192x128xf32, #tpu.memory_space<vmem>>) dst(%dma_wait3A_260 : memref<192x128xf32, #tpu.memory_space<hbm>>)
    return
  }
}

module attributes {stable_mosaic.version = 14 : i64} {
  func.func @_table_body(%arg0: memref<11x64xf32, #tpu.memory_space<vmem>>, %arg1: memref<900x64xf32, #tpu.memory_space<vmem>>, %arg2: memref<128x64xf32, #tpu.memory_space<vmem>>, %arg3: memref<128x64xf32, #tpu.memory_space<vmem>>, %arg4: memref<128xf32, #tpu.memory_space<vmem>>, %arg5: memref<900x11x128xf32, #tpu.memory_space<vmem>>) attributes {dimension_semantics = [], scalar_prefetch = 0 : i64, scratch_operands = 0 : i64, tpu.core_type = #tpu.core_type<tc>} {
    %get3A = arith.constant 0 : index
    %get3A_0 = arith.constant 0 : index
    %get3A_1 = vector.load %arg0[%get3A, %get3A_0] : memref<11x64xf32, #tpu.memory_space<vmem>>, vector<11x64xf32>
    %get3A_2 = arith.constant 0 : index
    %get3A_3 = arith.constant 0 : index
    %get3A_4 = vector.load %arg2[%get3A_2, %get3A_3] : memref<128x64xf32, #tpu.memory_space<vmem>>, vector<128x64xf32>
    %dot_general3A = arith.constant dense<0.000000e+00> : vector<11x128xf32>
    %dot_general3A_5 = tpu.matmul %get3A_1, %get3A_4, %dot_general3A {dimension_numbers = #tpu.dot_dimension_numbers<[1], [1], [0], [0], [0, 0, 1, 0], [], []>, transpose_lhs_hint = false} : vector<11x64xf32>, vector<128x64xf32>, vector<11x128xf32> -> vector<11x128xf32>
    %get3A_6 = arith.constant 0 : index
    %get3A_7 = arith.constant 0 : index
    %get3A_8 = vector.load %arg1[%get3A_6, %get3A_7] : memref<900x64xf32, #tpu.memory_space<vmem>>, vector<900x64xf32>
    %get3A_9 = arith.constant 0 : index
    %get3A_10 = arith.constant 0 : index
    %get3A_11 = vector.load %arg3[%get3A_9, %get3A_10] : memref<128x64xf32, #tpu.memory_space<vmem>>, vector<128x64xf32>
    %dot_general3A_12 = arith.constant dense<0.000000e+00> : vector<900x128xf32>
    %dot_general3A_13 = tpu.matmul %get3A_8, %get3A_11, %dot_general3A_12 {dimension_numbers = #tpu.dot_dimension_numbers<[1], [1], [0], [0], [0, 0, 1, 0], [], []>, transpose_lhs_hint = false} : vector<900x64xf32>, vector<128x64xf32>, vector<900x128xf32> -> vector<900x128xf32>
    %broadcast_in_dim3A = vector.shape_cast %dot_general3A_13 : vector<900x128xf32> to vector<900x1x128xf32>
    %broadcast_in_dim3A_14 = vector.shape_cast %dot_general3A_5 : vector<11x128xf32> to vector<1x11x128xf32>
    %add3A = vector.broadcast %broadcast_in_dim3A : vector<900x1x128xf32> to vector<900x11x128xf32>
    %add3A_15 = vector.broadcast %broadcast_in_dim3A_14 : vector<1x11x128xf32> to vector<900x11x128xf32>
    %add3A_16 = arith.addf %add3A, %add3A_15 : vector<900x11x128xf32>
    %get3A_17 = arith.constant 0 : index
    %get3A_18 = vector.load %arg4[%get3A_17] : memref<128xf32, #tpu.memory_space<vmem>>, vector<128xf32>
    %broadcast_in_dim3A_19 = vector.shape_cast %get3A_18 : vector<128xf32> to vector<1x1x128xf32>
    %add3A_20 = vector.broadcast %broadcast_in_dim3A_19 : vector<1x1x128xf32> to vector<900x11x128xf32>
    %add3A_21 = arith.addf %add3A_16, %add3A_20 : vector<900x11x128xf32>
    %swap3A = arith.constant 0 : index
    %swap3A_22 = arith.constant 0 : index
    %swap3A_23 = arith.constant 0 : index
    %swap3A_24 = vector.load %arg5[%swap3A, %swap3A_22, %swap3A_23] : memref<900x11x128xf32, #tpu.memory_space<vmem>>, vector<900x11x128xf32>
    tpu.vector_store %arg5[%swap3A, %swap3A_22, %swap3A_23], %add3A_21 {strides = array<i32>} : memref<900x11x128xf32, #tpu.memory_space<vmem>>, vector<900x11x128xf32>,
    return
  }
}

</mosaic_0001>

<sc_bundles>
// kernel: kernel.4.cloned.1.call-start
scs
__scs_entry_jumppad:
0x0: {  	(pc) =	sbr.rel $0x88, $3  }
0x1: {  	(tag) =	ssettag $0x0;
	lr =	simm.s32 $0x1  }
0x2: {  	[smem:$0x3F9C] =	sst lr;
	_ =	strace $0xD0000000  }
0x3: {  	_ = 	snop  }
0x4: {  	_ = 	snop  }
0x5: {  	_ = 	snop  }
0x6: {  	_ = 	snop  }
0x7: {  	_ = 	snop  }
__scs_overlays_trampoline_lowered:
0x8: {  	[smem:$0x3FAB] =	sst s0  }
0x9: {  	[smem:$0x3FAC] =	sst s1  }
0xa: {  	[smem:$0x3FAD] =	sst s2  }
0xb: {  	[smem:$0x3FAE] =	sst s3  }
0xc: {  	[smem:$0x3FAF] =	sst s4  }
0xd: {  	[smem:$0x3FB0] =	sst s5  }
0xe: {  	[smem:$0x3FB1] =	sst s6  }
0xf: {  	[smem:$0x3FB2] =	sst s7  }
0x10: {  	[smem:$0x3FB3] =	sst s8  }
0x11: {  	[smem:$0x3FB4] =	sst s9;
	s0 =	simm.s32 @!p0 $0x0  }
0x12: {  	s1 =	sld [smem:$0x3F9A];
	s0 =	simm.s32 @p0 $0x1  }
0x13: {  	[smem:$0x3FB5] =	sst s0;
	s0 =	simm.s32 @!p1 $0x0  }
0x14: {  	s2 =	sld [smem:$0x3F99];
	s0 =	simm.s32 @p1 $0x1  }
0x15: {  	[smem:$0x3FB6] =	sst s0;
	s0 =	simm.s32 @!p2 $0x0  }
0x16: {  	s3 =	sld [smem:$0x3FDB];
	s0 =	simm.s32 @p2 $0x1  }
0x17: {  	s4 =	simm.s32 $0x1BF5;
	[smem:$0x3FB8] =	sst s0  }
0x18: {  	s0 =	sld [smem:$0x3F9B];
	_ =	swait.ge [sflag:s4], $0x0  }
0x19: {  	s7 =	sld [smem:$0x3F9C]  }
0x1a: {  	s8 =	sadd.s32 $0xFFFFE003, lr  }
0x1b: {  	s9 =	sadd.s32 $0xFFFFFEF7, lr;
	s5 =	simm.s32 $0xFFFFFFFF;
	p2 =	slt.u32 s8, $0xFFFFF086  }
0x1c: {  	p1 =	slt.u32 s9, $0xF7A;
	s5 =	simm.s32 @!p2 $0x0  }
0x1d: {  	s5 =	simm.s32 @p1 $0x1;
	p0 =	seq.s32 s7, s2  }
0x1e: {  	s7 =	smul.u32 @!p0 $0xF7A, s2;
	p2 =	seq.s32 @!p0 s5, $0x0  }
0x1f: {  	s9 =	smul.u32 $0xF7A, s1;
	s8 =	simm.s32 @!p0 $0x1BF5;
	p2 =	por !p2, p0  }
0x20: {  	[sflag:s8] =	ssyncset.s32 @!p0 $0xFFFFF086;
	s6 =	sadd.s32 @!p0 s3, s7;
	s7 =	simm.s32 @!p0 $0x108  }
0x21: {  	s3 =	sadd.s32 s3, s9;
	s6 =	sadd.s32 @!p0 $0x88, s6;
	s7 =	simm.s32 @p2 $0x1082  }
0x22: {  	[simem:s7], [sflag:s8] =	dma.local @!p0 [hbm:s6], $0xF7A  }
0x23: {  	s9 =	sor.u32 $0xD0000000, s2;
	s6 =	simm.s32 $0x108;
	_ =	swait.ge @!p0 [sflag:s8], $0x0  }
0x24: {  	s3 =	sadd.s32 $0x88, s3;
	s6 =	simm.s32 @!p1 $0x1082;
	[sflag:s4] =	ssyncset.s32 $0xFFFFF086  }
0x25: {  	[simem:s6], [sflag:s4] =	dma.local [hbm:s3], $0xF7A  }
0x26: {  	[smem:$0x3F9C] =	sst s1;
	(tag) =	ssettag s2;
	_ =	strace s9  }
0x27: {  	s1 =	sld [smem:$0x3FAC]  }
0x28: {  	s2 =	sld [smem:$0x3FAD]  }
0x29: {  	s4 =	sld [smem:$0x3FAF]  }
0x2a: {  	p0 =	seq.s32 s5, $0x0;
	s5 =	sld [smem:$0x3FB0]  }
0x2b: {  	s6 =	sld [smem:$0x3FB1]  }
0x2c: {  	s7 =	sld [smem:$0x3FB2]  }
0x2d: {  	s3 =	simm.s32 $0x108;
	s8 =	sld [smem:$0x3FB3]  }
0x2e: {  	s3 =	simm.s32 @!p0 $0x1082;
	s9 =	sld [smem:$0x3FB4]  }
0x2f: {  	lr =	sadd.s32 s0, s3;
	s0 =	sld [smem:$0x3FAB]  }
0x30: {  	s3 =	sld [smem:$0x3FAE]  }
0x31: {  	[smem:$0x3FB7] =	sst s10  }
0x32: {  	s10 =	sld [smem:$0x3FB5];
	_ =	sdelay $0x3  }
0x33: {  	p0 =	seq.s32 s10, $0x1;
	s10 =	sld [smem:$0x3FB7];
	_ =	sdelay $0x3  }
0x34: {  	[smem:$0x3FB7] =	sst s10  }
0x35: {  	s10 =	sld [smem:$0x3FB6];
	_ =	sdelay $0x3  }
0x36: {  	p1 =	seq.s32 s10, $0x1;
	s10 =	sld [smem:$0x3FB7];
	_ =	sdelay $0x3  }
0x37: {  	[smem:$0x3FB7] =	sst s10  }
0x38: {  	s10 =	sld [smem:$0x3FB8]  }
0x39: {  	_ = 	snop;
	(pc) =	sbr.ind lr, $3  }
0x3a: {  	_ = 	snop  }
0x3b: {  	_ = 	snop  }
0x3c: {  	p2 =	seq.s32 s10, $0x1;
	s10 =	sld [smem:$0x3FB7]  }
0x3d: {  	_ =	shalt  }
0x3e: {  	_ =	shalt  }
0x3f: {  	_ =	shalt  }
0x40: {  	_ =	shalt  }
0x41: {  	_ =	shalt  }
0x42: {  	_ =	shalt  }
0x43: {  	_ =	shalt  }
0x44: {  	_ =	shalt  }
0x45: {  	_ =	shalt  }
0x46: {  	_ =	shalt  }
0x47: {  	_ =	shalt  }
0x48: {  	_ =	shalt  }
0x49: {  	_ =	shalt  }
0x4a: {  	_ =	shalt  }
0x4b: {  	_ =	shalt  }
0x4c: {  	_ =	shalt  }
0x4d: {  	_ =	shalt  }
0x4e: {  	_ =	shalt  }
0x4f: {  	_ =	shalt  }
0x50: {  	_ =	shalt  }
0x51: {  	_ =	shalt  }
0x52: {  	_ =	shalt  }
0x53: {  	_ =	shalt  }
0x54: {  	_ =	shalt  }
0x55: {  	_ =	shalt  }
0x56: {  	_ =	shalt  }
0x57: {  	_ =	shalt  }
0x58: {  	_ =	shalt  }
0x59: {  	_ =	shalt  }
0x5a: {  	_ =	shalt  }
0x5b: {  	_ =	shalt  }
0x5c: {  	_ =	shalt  }
0x5d: {  	_ =	shalt  }
0x5e: {  	_ =	shalt  }
0x5f: {  	_ =	shalt  }
0x60: {  	_ =	shalt  }
0x61: {  	_ =	shalt  }
0x62: {  	_ =	shalt  }
0x63: {  	_ =	shalt  }
0x64: {  	_ =	shalt  }
0x65: {  	_ =	shalt  }
0x66: {  	_ =	shalt  }
0x67: {  	_ =	shalt  }
0x68: {  	_ =	shalt  }
0x69: {  	_ =	shalt  }
0x6a: {  	_ =	shalt  }
0x6b: {  	_ =	shalt  }
0x6c: {  	_ =	shalt  }
0x6d: {  	_ =	shalt  }
0x6e: {  	_ =	shalt  }
0x6f: {  	_ =	shalt  }
0x70: {  	_ =	shalt  }
0x71: {  	_ =	shalt  }
0x72: {  	_ =	shalt  }
0x73: {  	_ =	shalt  }
0x74: {  	_ =	shalt  }
0x75: {  	_ =	shalt  }
0x76: {  	_ =	shalt  }
0x77: {  	_ =	shalt  }
0x78: {  	_ =	shalt  }
0x79: {  	_ =	shalt  }
0x7a: {  	_ =	shalt  }
0x7b: {  	_ =	shalt  }
0x7c: {  	_ =	shalt  }
0x7d: {  	_ =	shalt  }
0x7e: {  	_ =	shalt  }
0x7f: {  	_ =	shalt  }
0x80: {  	_ =	shalt  }
0x81: {  	_ =	shalt  }
0x82: {  	_ =	shalt  }
0x83: {  	_ =	shalt  }
0x84: {  	_ =	shalt  }
0x85: {  	_ =	shalt  }
0x86: {  	_ =	shalt  }
0x87: {  	_ =	shalt  }
.Lfunc_end0:
.L_simem_size_0:
called_computation_lowered:
.L_overlay_start_0:
0x88: {  	s2 =	sld [smem:$0x3FD9]  }
0x89: {  	s3 =	sld [smem:$0x3FFE];
	_ =	sdelay $0x1  }
0x8a: {  	s1 =	srdreg.scid  }
0x8b: {  	s0 =	sand.u32 $0x1, s1  }
0x8c: {  	s17 =	sshll.u32 s0, $0xA;
	s2 =	sadd.s32 s3, s2  }
0x8d: {  	s2 =	sadd.s32 s2, s17  }
0x8e: {  	[smem:$0x3FC3] =	sst s2  }
0x8f: {  	_ = 	snop  }
0x90: {  	s2 =	sld [smem:$0x3FD0];
	(tm) =	ssettm $0x1  }
0x91: {  	s18 =	sld [smem:$0x3FFB];
	_ =	sdelay $0x3  }
0x92: {  	_ =	strace s18  }
0x93: {  	s3 =	sld [smem:$0x3FFC];
	_ =	sdelay $0x3  }
0x94: {  	_ =	strace s3  }
0x95: {  	s3 =	sld [smem:$0x3FFD];
	_ =	sdelay $0x3  }
0x96: {  	_ =	strace s3  }
0x97: {  	_ =	strace $0x8FFFFFFF  }
0x98: {  	s19 =	sld [smem:$0x3FDB];
	_ =	sdelay $0x1  }
0x99: {  	s4 =	simm.s32 $_scs_section_size  }
0x9a: {  	s5 =	simm.s32 $_size__tile_overlayer_lowered;
	s6 =	simm.s32 $_tile_overlayer_lowered  }
0x9b: {  	s22 =	simm.s32 $0x1BFF;
	s21 =	sshll.u32 s6, $0x1;
	s3 =	sadd.s32 s4, s19  }
0x9c: {  	s7 =	simm.s32 $0x0;
	s20 =	sshll.u32 s5, $0x1;
	s5 =	sadd.s32 s21, s3  }
0x9d: {  	[timem:s7], [sflag:s22] =	dma.local [hbm:s5], s20  }
0x9e: {  	_ =	swait.ge [sflag:s22], s20  }
0x9f: {  	s4 =	ssub.s32 $0x0, s20;
	[sflag:s22] =	ssyncset.done $0x0  }
0xa0: {  	[sflag:s22] =	ssyncadd.s32 s4;
	_ =	sdelay $0x1  }
0xa1: {  	s23 =	simm.s32 $0x1B8B  }
0xa2: {  	_ =	swait.ge [sflag:s23], $0x1  }
0xa3: {  	[sflag:s23] =	ssyncset.done $0x0  }
0xa4: {  	s25 =	simm.s32 $0x1B8E;
	s24 =	sld [smem:$0x3FFE];
	[sflag:s23] =	ssyncadd.s32 $0xFFFFFFFF  }
0xa5: {  	s26 =	simm.s32 $execute0_lowered;
	[smem:$0x3FD2] =	sst s25  }
0xa6: {  	s5 =	sshll.u32 s26, $0x1;
	_ =	strace $0x80000046;
	[dreg:$0x1] =	wrdreg $0xFFFFFFFF  }
0xa7: {  	s28 =	simm.s32 $_size_execute0_lowered;
	s3 =	sadd.s32 s3, s5;
	[dreg:$0x0] =	wrdreg $0x0  }
0xa8: {  	s5 =	sshll.u32 s28, $0x1;
	[dreg:$0x2] =	wrdreg s3  }
0xa9: {  	[dreg:$0x3] =	wrdreg s5  }
0xaa: {  	[dreg:$0x4] =	wrdreg $0xC0  }
0xab: {  	_ =	task [dreg:s7], $0x5FFFF  }
0xac: {  	[dreg:$0x1] =	wrdreg $0xFFFFFFFF  }
0xad: {  	[dreg:$0x0] =	wrdreg $0x60  }
0xae: {  	[dreg:$0x2] =	wrdreg s24  }
0xaf: {  	[dreg:$0x3] =	wrdreg s2  }
0xb0: {  	[dreg:$0x4] =	wrdreg $0xC4000  }
0xb1: {  	[dreg:$0x5] =	wrdreg $0x9  }
0xb2: {  	_ =	task.clear_ibuf [dreg:s7], $0x6FFFF;
	_ =	strace $0x90000046  }
0xb3: {  	s29 =	simm.s32 $0x9;
	_ =	strace $0x80000048  }
0xb4: {  	_ =	swait.ge [sflag:s29], $0x1  }
0xb5: {  	[sflag:s29] =	ssyncadd.s32 $0xFFFFFFFF  }
0xb6: {  	_ =	strace $0x90000048  }
0xb7: {  	_ =	sfence  }
0xb8: {  	s30 =	sld [smem:$0x0];
	_ =	sdelay $0x2  }
0xb9: {  	s31 =	sshll.u32 s1, $0xD;
	s1 =	sshrl.u32 s1, $0x2  }
0xba: {  	s3 =	sand.u32 $0x4000, s31;
	s1 =	sadd.s32 s1, s30  }
0xbb: {  	s0 =	sor.u32 s3, s0;
	s1 =	sshll.u32 s1, $0x11  }
0xbc: {  	s0 =	sor.u32 s1, s0  }
0xbd: {  	s0 =	sadd.s32 $0x8F2B, s0  }
0xbe: {  	[sflag:s0] =	ssyncadd.remote.s32 $0x1  }
0xbf: {  	_ =	sfence.sel $0xFFFF  }
0xc0: {  	[dreg:$0x0] =	wrdreg $0xFFFFFFFF;
	(pc) =	sbr.abs _section_cstart, $3  }
0xc1: {  	[dreg:$0x1] =	wrdreg $0xFFFFFFFF  }
0xc2: {  	_ =	task.clear_ibuf [dreg:s7], $0x2FFFF;
	_ =	strace $0x9FFFFFFF  }
0xc3: {  	(tm) =	ssettm $0x7FFFFFFF  }
tec
execute0_lowered:
.L_overlay_start_1:
0x0: {  	(tag) =	ssettag $0x1  }
0x1: {  	s0 =	srdreg.scid;
	s11 =	stileid.u32  }
0x2: {  	s7 =	sand.u32 $0x1, s0;
	s15 =	sshll.u32 s11, $0x1  }
0x3: {  	s0 =	sor.u32 s7, s15  }
0x4: {  	s5 =	smul.u32 $0xC0, s0;
	_ =	sdelay $0x1  }
0x5: {  	v0 =	vlaneseq.u32;
	s6 =	sadd.s32 $0x6F000, s5  }
0x6: {  	s0 =	sadd.s32 $0x6F010, s5;
	v1 =	vor.u32 s6, v0  }
0x7: {  	s16 =	sadd.s32 $0x6F020, s5;
	s17 =	sadd.s32 $0x6F030, s5;
	s18 =	sadd.s32 $0x6F040, s5;
	v3 =	vor.u32 s0, v0;
	v2 =	vmulhi.u32 $0x91A2B3C5, v1  }
0x8: {  	s20 =	sadd.s32 $0x6F070, s5;
	v5 =	vor.u32 s16, v0;
	v7 =	vor.u32 s17, v0;
	v8 =	vor.u32 s18, v0  }
0x9: {  	s21 =	sadd.s32 $0x6F080, s5;
	v11 =	vor.u32 s20, v0;
	v4 =	vmulhi.u32 $0x91A2B3C5, v3;
	v2 =	vshrl.u32 v2, $0x9  }
0xa: {  	s22 =	sadd.s32 $0x6F090, s5;
	s23 =	sadd.s32 $0x6F0A0, s5;
	v13 =	vor.u32 s21, v0;
	v6 =	vmulhi.u32 $0x91A2B3C5, v5;
	v2 =	vmul.u32 $0x384, v2  }
0xb: {  	v14 =	vor.u32 s22, v0;
	v15 =	vor.u32 s23, v0;
	v9 =	vmulhi.u32 $0x91A2B3C5, v8  }
0xc: {  	v1 =	vsub.s32 v1, v2;
	v2 =	vshrl.u32 v4, $0x9;
	v4 =	vmulhi.u32 $0x91A2B3C5, v7  }
0xd: {  	s3 =	rddreg [dreg:$0x0];
	v12 =	vmulhi.u32 $0x91A2B3C5, v11;
	v6 =	vshrl.u32 v6, $0x9;
	v2 =	vmul.u32 $0x384, v2  }
0xe: {  	s8 =	rddreg [dreg:$0x1];
	s4 =	sadd.s32 $0x6F050, s5;
	v16 =	vmulhi.u32 $0x91A2B3C5, v15;
	v6 =	vmul.u32 $0x384, v6;
	v4 =	vshrl.u32 v4, $0x9  }
0xf: {  	s1 =	rddreg [dreg:$0x2];
	s2 =	simm.s32 $0x0;
	s30 =	simm.s32 $0x100;
	v2 =	vsub.s32 v3, v2;
	v3 =	vmul.u32 $0x384, v4;
	v4 =	vor.u32 s4, v0  }
0x10: {  	s31 =	simm.s32 $0x300;
	s12 =	smul.u32 $0x1800, s11;
	s16 =	sadd.s32 $0x6F0B0, s5;
	v5 =	vsub.s32 v5, v6;
	v6 =	vshrl.u32 v9, $0x9;
	v9 =	vmulhi.u32 $0x91A2B3C5, v4  }
0x11: {  	[smem:$0x7FF] =	sst s2;
	s14 =	smul.u32 $0xC00, s7;
	s19 =	sadd.s32 $0x6F060, s5;
	v17 =	vor.u32 s16, v0;
	v12 =	vshrl.u32 v12, $0x9;
	v7 =	vsub.s32 v7, v3  }
0x12: {  	s10 =	sadd.s32 $0x27800, s3;
	s9 =	ssub.s32 $0x2, s7;
	s15 =	smul.u32 $0x180, s11;
	v3 =	vmul.u32 $0x384, v6;
	v6 =	vor.u32 s19, v0;
	v9 =	vshrl.u32 v9, $0x9  }
0x13: {  	s3 =	sadd.s32 $0xC00, s3;
	s25 =	smul.u32 $0xC0, s7;
	s13 =	sshrl.u32 s9, $0x1;
	v16 =	vshrl.u32 v16, $0x9;
	v10 =	vmulhi.u32 $0x91A2B3C5, v6;
	v9 =	vmul.u32 $0x384, v9  }
0x14: {  	p0 =	sne.s32 s11, $0x0;
	s26 =	smul.u32 $0x18, s7;
	s9 =	ssub.s32 s9, s13;
	v12 =	vmul.u32 $0x384, v12;
	v8 =	vsub.s32 v8, v3;
	v3 =	vmulhi.u32 $0x91A2B3C5, v13  }
0x15: {  	s7 =	sadd.s32 s25, s15;
	s13 =	simm.s32 $0xC0;
	s15 =	simm.s32 $0x400;
	v16 =	vmul.u32 $0x384, v16;
	v10 =	vshrl.u32 v10, $0x9;
	v9 =	vsub.s32 v4, v9  }
0x16: {  	s29 =	sshrl.u32 s7, $0x3;
	s0 =	rddreg [dreg:$0x3];
	_ =	strace $0x80000047;
	v4 =	vmulhi.u32 $0x91A2B3C5, v14;
	v10 =	vmul.u32 $0x384, v10;
	v3 =	vshrl.u32 v3, $0x9  }
0x17: {  	s24 =	sshrl.u32 s6, $0x3;
	s6 =	sshll.u32 s6, $0x4;
	[dreg:$0x4] =	wrdreg s30;
	v11 =	vsub.s32 v11, v12;
	v1 =	vmul.u32 $0xB, v1;
	v3 =	vmul.u32 $0x384, v3  }
0x18: {  	s17 =	smul.u32 $0x30, s11;
	s11 =	sshrl.u32 @!p0 s1, $0x3;
	[dreg:$0x5] =	wrdreg s31;
	v4 =	vshrl.u32 v4, $0x9;
	v10 =	vsub.s32 v6, v10;
	v6 =	vmulhi.u32 $0x91A2B3C5, v17  }
0x19: {  	s18 =	simm.s32 $0x2;
	s20 =	simm.s32 $0x4;
	s21 =	simm.s32 $0x0;
	v2 =	vmul.u32 $0xB, v2;
	v4 =	vmul.u32 $0x384, v4;
	v12 =	vsub.s32 v13, v3  }
0x1a: {  	s5 =	sadd.s32 s8, s6;
	s6 =	smax.u32 s9, $0x1;
	s8 =	sadd.s32 s12, s8;
	v3 =	vmul.u32 $0xB, v5;
	v5 =	vmul.u32 $0xB, v8;
	v6 =	vshrl.u32 v6, $0x9  }
0x1b: {  	s12 =	simm.s32 $0x5;
	s16 =	simm.s32 $0x6400;
	s28 =	sadd.s32 s17, s10;
	v13 =	vsub.s32 v14, v4;
	v14 =	vsub.s32 v15, v16;
	v15 =	vmul.u32 $0x384, v6  }
0x1c: {  	s8 =	sadd.s32 s14, s8;
	s14 =	simm.s32 $0x200;
	s9 =	sadd.s32 s26, s28;
	v8 =	vmul.u32 $0xB, v11;
	v4 =	vmul.u32 $0xB, v7;
	v6 =	vmul.u32 $0xB, v9  }
0x1d: {  	s17 =	simm.s32 $0x1;
	s8 =	sadd.s32 $0x18000, s8;
	s9 =	sadd.s32 $0x300, s9;
	v7 =	vmul.u32 $0xB, v10;
	v9 =	vmul.u32 $0xB, v12;
	v12 =	vsub.s32 v17, v15  }
0x1e: {  	s4 =	sadd.s32 s10, s24;
	s10 =	sadd.s32 s29, s10;
	s19 =	simm.s32 $0x3;
	v10 =	vmul.u32 $0xB, v13;
	v11 =	vmul.u32 $0xB, v14;
	v12 =	vmul.u32 $0xB, v12  }
.LBB2_1:
0x1f: {  	s22 =	simm.s32 @!p0 $0x1C05  }
0x20: {  	[spmem:s11], [sflag:s22] =	dma.local @!p0 [hbm:s3], $0x26AC0  }
0x21: {  	s22 =	simm.s32 @!p0 $0x5  }
0x22: {  	_ =	swait.ge @!p0 [sflag:s22], $0x26AC0  }
0x23: {  	[sflag:s22] =	ssyncset.done @!p0 $0x0  }
0x24: {  	s23 =	smov.u32 s9;
	s24 =	smov.u32 s8;
	[sflag:s22] =	ssyncadd.s32 @!p0 $0xFFFD9540  }
0x25: {  	s25 =	simm.s32 $0x0;
	s22 =	smov.u32 s10;
	[bflag:$0x0] =	sbarrier.arrive $0xFFFF  }
.LBB2_2:
0x26: {  	s26 =	sadd.s32 s25, s7  }
0x27: {  	[tilespmem:s2], [sflag:$0x5] =	stream.linear.gather [hbm4b:s22+s2], $0xC0, $0x38;
	[tilespmem:$0x1F960] =	vst v63  }
0x28: {  	v13 =	vor.u32 s26, v0;
	s28 =	sadd.s32 $0x10, s26  }
0x29: {  	s30 =	sadd.s32 $0x20, s26;
	v14 =	vmulhi.u32 $0x91A2B3C5, v13;
	v15 =	vor.u32 s28, v0  }
0x2a: {  	s31 =	sadd.s32 $0x30, s26;
	v17 =	vor.u32 s30, v0;
	v16 =	vmulhi.u32 $0x91A2B3C5, v15  }
0x2b: {  	s29 =	sadd.s32 $0x40, s26;
	v36 =	vor.u32 s31, v0;
	v19 =	vmulhi.u32 $0x91A2B3C5, v17  }
0x2c: {  	v38 =	vor.u32 s29, v0;
	s30 =	sadd.s32 $0x50, s26;
	v37 =	vmulhi.u32 $0x91A2B3C5, v36  }
0x2d: {  	s31 =	sadd.s32 $0x60, s26;
	v39 =	vmulhi.u32 $0x91A2B3C5, v38;
	v21 =	vor.u32 s30, v0  }
0x2e: {  	s29 =	sadd.s32 $0x70, s26;
	v23 =	vor.u32 s31, v0;
	v22 =	vmulhi.u32 $0x91A2B3C5, v21  }
0x2f: {  	v26 =	vor.u32 s29, v0;
	s30 =	sadd.s32 $0x80, s26;
	v24 =	vmulhi.u32 $0x91A2B3C5, v23  }
0x30: {  	s31 =	sadd.s32 $0x90, s26;
	v45 =	vmulhi.u32 $0x91A2B3C5, v26;
	v48 =	vor.u32 s30, v0  }
0x31: {  	s29 =	sadd.s32 $0xA0, s26;
	v50 =	vor.u32 s31, v0;
	v49 =	vmulhi.u32 $0x91A2B3C5, v48  }
0x32: {  	_ =	swait.ge [sflag:s12], $0xC0;
	v14 =	vshrl.u32 v14, $0x9;
	v52 =	vor.u32 s29, v0;
	v51 =	vmulhi.u32 $0x91A2B3C5, v50  }
0x33: {  	[sflag:s12] =	ssyncset.done $0x0;
	s30 =	sadd.s32 $0xB0, s26;
	v14 =	vmul.u32 $0x384, v14;
	v16 =	vshrl.u32 v16, $0x9;
	v53 =	vmulhi.u32 $0x91A2B3C5, v52  }
0x34: {  	[sflag:s12] =	ssyncadd.s32 $0xFFFFFF40;
	v54 =	vor.u32 s30, v0;
	v16 =	vmul.u32 $0x384, v16;
	v22 =	vshrl.u32 v22, $0x9  }
0x35: {  	v18 =	vld [tilespmem:$0x0];
	v24 =	vshrl.u32 v24, $0x9;
	v47 =	vshrl.u32 v45, $0x9;
	v27 =	vmulhi.u32 $0x91A2B3C5, v54  }
0x36: {  	v20 =	vld [tilespmem:$0x10];
	v13 =	vsub.s32 v13, v14;
	v14 =	vshrl.u32 v19, $0x9;
	v22 =	vmul.u32 $0x384, v22  }
0x37: {  	v43 =	vmul.u32 $0x384, v24;
	v13 =	vmul.u32 $0xB, v13;
	v15 =	vsub.s32 v15, v16  }
0x38: {  	v35 =	vld [tilespmem:$0x20];
	v14 =	vmul.u32 $0x384, v14;
	v60 =	vshrl.u32 v27, $0x9;
	v15 =	vmul.u32 $0xB, v15  }
0x39: {  	v44 =	vld [tilespmem:$0x60];
	v21 =	vsub.s32 v21, v22;
	v19 =	vsub.s32 v23, v43;
	v22 =	vshrl.u32 v49, $0x9  }
0x3a: {  	v61 =	vmul.u32 $0x384, v60;
	v13 =	vadd.s32 v13, v18;
	v14 =	vsub.s32 v17, v14  }
0x3b: {  	v17 =	vshrl.u32 v37, $0x9;
	v19 =	vmul.u32 $0xB, v19;
	v15 =	vadd.s32 v15, v20  }
0x3c: {  	v40 =	vld [tilespmem:$0x30];
	v14 =	vmul.u32 $0xB, v14;
	v17 =	vmul.u32 $0x384, v17;
	v20 =	vshrl.u32 v39, $0x9  }
0x3d: {  	v25 =	vld [tilespmem:$0x50];
	v46 =	vmul.u32 $0xB, v21;
	v41 =	vmul.u32 $0x384, v20;
	v20 =	vmul.u32 $0x384, v47  }
0x3e: {  	v42 =	vld [tilespmem:$0x40];
	[tilespmem:$0x200] =	vst v13;
	v19 =	vadd.s32 v19, v44;
	v14 =	vadd.s32 v14, v35;
	v17 =	vsub.s32 v36, v17  }
0x3f: {  	[tilespmem:$0x210] =	vst v15;
	v15 =	vld [tilespmem:$0x70];
	v17 =	vmul.u32 $0xB, v17;
	v18 =	vsub.s32 v38, v41;
	v13 =	vsub.s32 v26, v20  }
0x40: {  	[tilespmem:$0x220] =	vst v14;
	v14 =	vmul.u32 $0x384, v22;
	v20 =	vshrl.u32 v51, $0x9;
	v22 =	vsub.s32 v54, v61  }
0x41: {  	v55 =	vld [tilespmem:$0x80];
	v18 =	vmul.u32 $0xB, v18;
	v13 =	vmul.u32 $0xB, v13;
	v56 =	vmul.u32 $0x384, v20  }
0x42: {  	v57 =	vld [tilespmem:$0x90];
	[tilespmem:$0x260] =	vst v19;
	v16 =	vadd.s32 v17, v40;
	v17 =	vadd.s32 v46, v25;
	v25 =	vshrl.u32 v53, $0x9  }
0x43: {  	v59 =	vld [tilespmem:$0xA0];
	v14 =	vsub.s32 v48, v14;
	v18 =	vadd.s32 v18, v42;
	[tilespmem:$0x230] =	vst v16;
	v58 =	vmul.u32 $0x384, v25  }
0x44: {  	v62 =	vld [tilespmem:$0xB0];
	s30 =	sadd.s32 $0x1820, s26;
	[tilespmem:$0x250] =	vst v17;
	v14 =	vmul.u32 $0xB, v14;
	v16 =	vsub.s32 v50, v56;
	v13 =	vadd.s32 v13, v15  }
0x45: {  	v25 =	vor.u32 s30, v0;
	s30 =	sadd.s32 $0x1850, s26;
	[tilespmem:$0x240] =	vst v18;
	v15 =	vmul.u32 $0xB, v16;
	v63 =	vsub.s32 v52, v58  }
0x46: {  	[tilespmem:$0x270] =	vst v13;
	v34 =	vor.u32 s30, v0;
	v13 =	vadd.s32 v14, v55;
	v14 =	vmul.u32 $0xB, v63  }
0x47: {  	v35 =	vmulhi.u32 $0x91A2B3C5, v34;
	[tilespmem:$0x280] =	vst v13;
	v13 =	vadd.s32 v15, v57;
	v15 =	vmul.u32 $0xB, v22  }
0x48: {  	v27 =	vmulhi.u32 $0x91A2B3C5, v25;
	s30 =	sadd.s32 $0x1880, s26;
	[tilespmem:$0x290] =	vst v13;
	v13 =	vadd.s32 v14, v59  }
0x49: {  	p1 =	seq.s32 s25, $0x0;
	s29 =	sadd.s32 $0x1800, s26;
	v48 =	vor.u32 s30, v0;
	v22 =	vshrl.u32 v35, $0x9;
	[tilespmem:$0x2A0] =	vst v13;
	v13 =	vadd.s32 v15, v62  }
0x4a: {  	s28 =	simm.s32 @!p1 $0x3;
	v49 =	vmulhi.u32 $0x91A2B3C5, v48;
	v22 =	vmul.u32 $0x384, v22;
	[tilespmem:$0x2B0] =	vst v13;
	v13 =	vor.u32 s29, v0;
	s29 =	sadd.s32 $0x1810, s26  }
0x4b: {  	_ =	swait.ge @!p1 [sflag:s28], $0x6000;
	v14 =	vmulhi.u32 $0x91A2B3C5, v13;
	v15 =	vor.u32 s29, v0;
	s29 =	sadd.s32 $0x1840, s26  }
0x4c: {  	v21 =	vsub.s32 v34, v22;
	[sflag:s28] =	ssyncset.done @!p1 $0x0;
	v24 =	vmulhi.u32 $0x91A2B3C5, v15;
	v32 =	vor.u32 s29, v0;
	s29 =	sadd.s32 $0x1870, s26  }
0x4d: {  	v46 =	vmul.u32 $0xB, v21;
	[sflag:s28] =	ssyncadd.s32 @!p1 $0xFFFFA000;
	v14 =	vshrl.u32 v14, $0x9;
	v44 =	vor.u32 s29, v0;
	s29 =	sadd.s32 $0x18A0, s26  }
0x4e: {  	v33 =	vmulhi.u32 $0x91A2B3C5, v32;
	[tilespmem:s15], [sflag:$0x1] =	stream.indirect.gather [spmem:s1], $0x80, s14, s13, $0xb8;
	v14 =	vmul.u32 $0x384, v14;
	v16 =	vshrl.u32 v24, $0x9;
	[tilespmem:$0x1F960] =	vst v63  }
0x4f: {  	s31 =	rddreg [dreg:$0x4];
	v45 =	vmulhi.u32 $0x91A2B3C5, v44;
	v52 =	vor.u32 s29, v0;
	v16 =	vmul.u32 $0x384, v16  }
0x50: {  	v22 =	vshrl.u32 v49, $0x9;
	v20 =	vshrl.u32 v33, $0x9;
	v53 =	vmulhi.u32 $0x91A2B3C5, v52;
	[tilespmem:s31], [sflag:$0x5] =	stream.linear.gather [hbm4b:s23+s2], $0xC0, $0x38;
	[tilespmem:$0x1F960] =	vst v63  }
0x51: {  	v13 =	vsub.s32 v13, v14;
	v14 =	vshrl.u32 v27, $0x9;
	v39 =	vmul.u32 $0x384, v20;
	_ =	swait.ge [sflag:s12], $0xC0  }
0x52: {  	s31 =	sadd.s32 $0x1830, s26;
	v47 =	vshrl.u32 v45, $0x9;
	v13 =	vmul.u32 $0xB, v13;
	v15 =	vsub.s32 v15, v16;
	[sflag:s12] =	ssyncset.done $0x0  }
0x53: {  	v14 =	vmul.u32 $0x384, v14;
	v30 =	vor.u32 s31, v0;
	s31 =	sadd.s32 $0x1860, s26;
	v20 =	vmul.u32 $0x384, v47;
	[sflag:s12] =	ssyncadd.s32 $0xFFFFFF40  }
0x54: {  	v15 =	vmul.u32 $0xB, v15;
	v31 =	vmulhi.u32 $0x91A2B3C5, v30;
	v36 =	vor.u32 s31, v0;
	v26 =	vld [tilespmem:$0x100]  }
0x55: {  	v18 =	vsub.s32 v32, v39;
	s31 =	sadd.s32 $0x1890, s26;
	s26 =	sadd.s32 $0x18B0, s26;
	v14 =	vsub.s32 v25, v14;
	v38 =	vmulhi.u32 $0x91A2B3C5, v36;
	v28 =	vld [tilespmem:$0x110]  }
0x56: {  	v18 =	vmul.u32 $0xB, v18;
	v50 =	vor.u32 s31, v0;
	v54 =	vor.u32 s26, v0;
	v29 =	vld [tilespmem:$0x120]  }
0x57: {  	v25 =	vshrl.u32 v53, $0x9;
	v14 =	vmul.u32 $0xB, v14;
	v17 =	vshrl.u32 v31, $0x9;
	v40 =	vld [tilespmem:$0x140]  }
0x58: {  	v56 =	vmulhi.u32 $0x91A2B3C5, v54;
	v17 =	vmul.u32 $0x384, v17;
	v24 =	vshrl.u32 v38, $0x9  }
0x59: {  	v37 =	vld [tilespmem:$0x130];
	v51 =	vmulhi.u32 $0x91A2B3C5, v50;
	v59 =	vmul.u32 $0x384, v25;
	v42 =	vmul.u32 $0x384, v24  }
0x5a: {  	v41 =	vld [tilespmem:$0x150];
	v61 =	vshrl.u32 v56, $0x9;
	v17 =	vsub.s32 v30, v17;
	v13 =	vadd.s32 v13, v26  }
0x5b: {  	v43 =	vld [tilespmem:$0x160];
	v62 =	vmul.u32 $0x384, v61;
	v17 =	vmul.u32 $0xB, v17;
	v15 =	vadd.s32 v15, v28;
	[tilespmem:$0x300] =	vst v13  }
0x5c: {  	v19 =	vsub.s32 v36, v42;
	v14 =	vadd.s32 v14, v29;
	v18 =	vadd.s32 v18, v40;
	[tilespmem:$0x310] =	vst v15;
	v15 =	vld [tilespmem:$0x170]  }
0x5d: {  	v55 =	vld [tilespmem:$0x180];
	v13 =	vsub.s32 v44, v20;
	[tilespmem:$0x320] =	vst v14;
	v14 =	vmul.u32 $0x384, v22;
	v20 =	vshrl.u32 v51, $0x9  }
0x5e: {  	v58 =	vld [tilespmem:$0x190];
	v19 =	vmul.u32 $0xB, v19;
	v16 =	vadd.s32 v17, v37;
	[tilespmem:$0x340] =	vst v18;
	v57 =	vmul.u32 $0x384, v20  }
0x5f: {  	v60 =	vld [tilespmem:$0x1A0];
	v17 =	vadd.s32 v46, v41;
	[tilespmem:$0x330] =	vst v16;
	v13 =	vmul.u32 $0xB, v13;
	v14 =	vsub.s32 v48, v14  }
0x60: {  	v63 =	vld [tilespmem:$0x1B0];
	v19 =	vadd.s32 v19, v43;
	[tilespmem:$0x350] =	vst v17;
	v14 =	vmul.u32 $0xB, v14;
	v16 =	vsub.s32 v50, v57  }
0x61: {  	[tilespmem:$0x360] =	vst v19;
	v16 =	vmul.u32 $0xB, v16;
	v13 =	vadd.s32 v13, v15;
	v15 =	vsub.s32 v52, v59  }
0x62: {  	[tilespmem:$0x370] =	vst v13;
	v13 =	vadd.s32 v14, v55;
	v14 =	vsub.s32 v54, v62;
	v15 =	vmul.u32 $0xB, v15  }
0x63: {  	[tilespmem:$0x380] =	vst v13;
	v13 =	vadd.s32 v16, v58;
	v14 =	vmul.u32 $0xB, v14  }
0x64: {  	[tilespmem:$0x390] =	vst v13;
	v13 =	vadd.s32 v15, v60  }
0x65: {  	[tilespmem:$0x3A0] =	vst v13;
	v13 =	vadd.s32 v14, v63  }
0x66: {  	s26 =	simm.s32 @!p1 $0x4;
	[tilespmem:$0x3B0] =	vst v13  }
0x67: {  	_ =	swait.ge @!p1 [sflag:s26], $0x6000  }
0x68: {  	[sflag:s26] =	ssyncset.done @!p1 $0x0  }
0x69: {  	s30 =	rddreg [dreg:$0x5];
	[sflag:s26] =	ssyncadd.s32 @!p1 $0xFFFFA000  }
0x6a: {  	[tilespmem:s16], [sflag:$0x2] =	stream.indirect.gather [spmem:s1], $0x80, s30, s13, $0xb8;
	[tilespmem:$0x1F960] =	vst v63  }
0x6b: {  	_ =	swait.ge [sflag:s17], $0x6000  }
0x6c: {  	s25 =	sadd.s32 $0x3000, s25;
	[sflag:s17] =	ssyncset.done $0x0  }
0x6d: {  	s31 =	sadd.s32 $0xFFFE8000, s24;
	p1 =	sne.s32 s25, $0x6F000;
	[sflag:s17] =	ssyncadd.s32 $0xFFFFA000  }
0x6e: {  	[hbm4b:s31+s2] =	stream.linear.scatter [tilespmem:s15], [sflag:$0x3], $0x6000, $0x38;
	[tilespmem:$0x1F960] =	vst v63  }
.Ltmp0:
0x6f: {  	_ =	swait.ge [sflag:s18], $0x6000;
	(pc) =	sbr.rel @p1 .LBB2_2-.Ltmp0, $4  }
0x70: {  	[sflag:s18] =	ssyncset.done $0x0  }
0x71: {  	[sflag:s18] =	ssyncadd.s32 $0xFFFFA000  }
0x72: {  	[hbm4b:s24+s2] =	stream.linear.scatter [tilespmem:s16], [sflag:$0x4], $0x6000, $0x38;
	[tilespmem:$0x1F960] =	vst v63  }
0x73: {  	s22 =	sadd.s32 $0x600, s22;
	s23 =	sadd.s32 $0x600, s23;
	s24 =	sadd.s32 $0x30000, s24  }
0x74: {  	[tilespmem:s2], [sflag:$0x5] =	stream.linear.gather [hbm4b:s4+s2], $0xC0, $0x38;
	[tilespmem:$0x1F960] =	vst v63  }
0x75: {  	_ =	swait.ge [sflag:s12], $0xC0  }
0x76: {  	[sflag:s12] =	ssyncset.done $0x0  }
0x77: {  	[sflag:s12] =	ssyncadd.s32 $0xFFFFFF40  }
0x78: {  	v13 =	vld [tilespmem:$0x0]  }
0x79: {  	v14 =	vld [tilespmem:$0x10]  }
0x7a: {  	v15 =	vld [tilespmem:$0x20]  }
0x7b: {  	v16 =	vld [tilespmem:$0x30]  }
0x7c: {  	v17 =	vld [tilespmem:$0x40]  }
0x7d: {  	v18 =	vld [tilespmem:$0x50];
	v13 =	vadd.s32 v1, v13  }
0x7e: {  	[tilespmem:$0x200] =	vst v13;
	v13 =	vadd.s32 v2, v14;
	v14 =	vld [tilespmem:$0x60]  }
0x7f: {  	[tilespmem:$0x210] =	vst v13;
	v13 =	vadd.s32 v3, v15;
	v15 =	vld [tilespmem:$0x70]  }
0x80: {  	v61 =	vld [tilespmem:$0x80];
	[tilespmem:$0x220] =	vst v13;
	v13 =	vadd.s32 v4, v16  }
0x81: {  	v62 =	vld [tilespmem:$0x90];
	[tilespmem:$0x230] =	vst v13;
	v13 =	vadd.s32 v5, v17  }
0x82: {  	v63 =	vld [tilespmem:$0xA0];
	[tilespmem:$0x240] =	vst v13;
	v13 =	vadd.s32 v6, v18  }
0x83: {  	[tilespmem:$0x250] =	vst v13;
	v13 =	vadd.s32 v7, v14;
	v14 =	vld [tilespmem:$0xB0]  }
0x84: {  	[tilespmem:$0x260] =	vst v13;
	v13 =	vadd.s32 v8, v15  }
0x85: {  	[tilespmem:$0x270] =	vst v13;
	v13 =	vadd.s32 v9, v61  }
0x86: {  	[tilespmem:$0x280] =	vst v13;
	v13 =	vadd.s32 v10, v62  }
0x87: {  	[tilespmem:$0x290] =	vst v13;
	v13 =	vadd.s32 v11, v63  }
0x88: {  	[tilespmem:$0x2A0] =	vst v13;
	v13 =	vadd.s32 v12, v14  }
0x89: {  	[tilespmem:$0x2B0] =	vst v13  }
0x8a: {  	_ =	swait.ge [sflag:s19], $0x6000  }
0x8b: {  	[sflag:s19] =	ssyncset.done $0x0  }
0x8c: {  	[sflag:s19] =	ssyncadd.s32 $0xFFFFA000  }
0x8d: {  	[tilespmem:s15], [sflag:$0x1] =	stream.indirect.gather [spmem:s1], $0x80, s14, s13, $0xb8;
	[tilespmem:$0x1F960] =	vst v63  }
0x8e: {  	_ =	swait.ge [sflag:s17], $0x6000  }
0x8f: {  	[sflag:s17] =	ssyncset.done $0x0  }
0x90: {  	s21 =	sadd.s32 $0x1, s21;
	[sflag:s17] =	ssyncadd.s32 $0xFFFFA000  }
0x91: {  	[hbm4b:s5+s2] =	stream.linear.scatter [tilespmem:s15], [sflag:$0x3], $0x6000, $0x38;
	[tilespmem:$0x1F960] =	vst v63  }
0x92: {  	p1 =	sne.s32 s21, s6;
	_ =	swait.ge [sflag:s19], $0x6000  }
.Ltmp1:
0x93: {  	[sflag:s19] =	ssyncset.done $0x0;
	(pc) =	sbr.rel @p1 .LBB2_1-.Ltmp1, $4  }
0x94: {  	[sflag:s19] =	ssyncadd.s32 $0xFFFFA000  }
0x95: {  	_ =	swait.ge [sflag:s20], $0x6000  }
0x96: {  	[sflag:s20] =	ssyncset.done $0x0  }
0x97: {  	[sflag:s20] =	ssyncadd.s32 $0xFFFFA000  }
0x98: {  	_ =	sfence.sel $0x180000  }
0x99: {  	[bflag:$0x0] =	sbarrier.arrive $0xFFFF  }
0x9a: {  	_ =	strace $0x90000047  }
0x9b: {  	s0 =	sadd.s32 @!p0 $0x100000, s0;
	[bflag:$0x2] =	sbarrier.arrive $0xFFFF  }
0x9c: {  	[sflag:s0] =	ssyncadd.tile.s32 @!p0 $0x1;
	_ =	shalt  }
.Lfunc_end2:
_tile_overlayer_lowered:
.L_overlay_start_2:
0x9d: {  	(tag) =	ssettag $0x2  }
0x9e: {  	s0 =	rddreg [dreg:$0x0];
	s2 =	stileid.u32  }
0x9f: {  	s1 =	rddreg [dreg:$0x1];
	p0 =	sne.s32 s2, $0x0  }
0xa0: {  	s3 =	rddreg [dreg:$0x2];
	[bflag:$0x3] =	sbarrier.arrive $0xFFFF;
	s2 =	simm.s32 @!p0 $0x1C05  }
0xa1: {  	[timem:s3], [sflag:s2] =	dma.local @!p0 [hbm:s0], s1  }
0xa2: {  	s0 =	simm.s32 @!p0 $0x5  }
0xa3: {  	_ =	swait.ge @!p0 [sflag:s0], s1  }
0xa4: {  	s1 =	ssub.s32 @!p0 $0x0, s1;
	[sflag:s0] =	ssyncset.done @!p0 $0x0  }
0xa5: {  	[sflag:s0] =	ssyncadd.s32 @!p0 s1  }
0xa6: {  	[bflag:$0x3] =	sbarrier.arrive $0xFFFF  }
0xa7: {  	_ =	shalt  }

</sc_bundles>
